<compile_context>
chip_gen: v7x
topology: tpu7x:2x2x1
jax: 0.10.2.dev20260603
libtpu: 0.0.44.dev20260713+nightly
codegen_flags: <defaults>
</compile_context>

<pallas_src>
import functools

import jax
import jax.numpy as jnp
from jax import lax
from jax.experimental import pallas as pl
from jax.experimental.pallas import tpu as pltpu
from jax.experimental.pallas import tpu_sc as plsc

VOCAB = 100000
EMBED = 128
SEQ = 2048
BATCH = 4
N_SEG = 3
ROWS = SEQ * BATCH
NC, NS = 2, 16
NW = NC * NS
SPW = SEQ // NW
RPW = SPW * BATCH
SCHUNK = SPW // 2
NCHUNK = 2
RCHUNK = BATCH * SCHUNK
LANES = 16
NG = EMBED // LANES
SPB = LANES // BATCH
SCALE = float(EMBED) ** 0.5
EPS = 1e-5

GRID = 8
TROWS = ROWS // GRID
TSEQ = SEQ // GRID


@functools.partial(
    pl.kernel,
    out_type=jax.ShapeDtypeStruct((ROWS, EMBED), jnp.float32),
    mesh=plsc.VectorSubcoreMesh(
        core_axis_name="c", subcore_axis_name="s", num_cores=NC, num_subcores=NS
    ),
    compiler_params=pltpu.CompilerParams(needs_layout_passes=False),
    scratch_types=[
        pltpu.VMEM((SPW, BATCH), jnp.int32),
        pltpu.VMEM((SPW, BATCH), jnp.int32),
        pltpu.VMEM((NCHUNK, RCHUNK), jnp.int32),
        pltpu.VMEM((NCHUNK, RCHUNK), jnp.int32),
        pltpu.VMEM((RPW, EMBED), jnp.float32),
        pltpu.VMEM((RPW, EMBED), jnp.float32),
        pltpu.SemaphoreType.DMA,
        pltpu.SemaphoreType.DMA,
        pltpu.SemaphoreType.DMA,
    ],
)
def _gather_kernel(all_idx, tok_tab, pos_tab, out, idx_t, idx_p, idxl_t,
                   idxl_p, rows_t, rows_p, sem_g0, sem_g1, sem_w):
    wid = lax.axis_index("s") * NC + lax.axis_index("c")
    base = wid * SPW

    pltpu.sync_copy(all_idx.at[0, pl.ds(base, SPW)], idx_t)
    pltpu.sync_copy(all_idx.at[1, pl.ds(base, SPW)], idx_p)

    iota = lax.iota(jnp.int32, LANES)
    lane_sp = iota // BATCH
    lane_b = iota % BATCH

    for k in range(RPW // LANES):
        rows = SPB * k + lane_sp
        vt = plsc.load_gather(idx_t, [rows, lane_b])
        vp = plsc.load_gather(idx_p, [rows, lane_b])
        j, off = divmod(k * LANES, RCHUNK)
        idxl_t[j, pl.ds(off, LANES)] = vt
        idxl_p[j, pl.ds(off, LANES)] = vp

    gsems = [sem_g0, sem_g1]
    gcopies = []
    for j in range(NCHUNK):
        sl = pl.ds(j * RCHUNK, RCHUNK)
        gcopies.append((
            pltpu.async_copy(tok_tab.at[idxl_t.at[j]], rows_t.at[sl], gsems[j]),
            pltpu.async_copy(pos_tab.at[idxl_p.at[j]], rows_p.at[sl], gsems[j]),
        ))

    wb = []
    for j in range(NCHUNK):
        for c in gcopies[j]:
            c.wait()

        @plsc.parallel_loop(j * RCHUNK, (j + 1) * RCHUNK, step=1, unroll=8)
        def row_body(r):
            for g in range(NG):
                sl = pl.ds(g * LANES, LANES)
                rows_t[r, sl] = rows_t[r, sl] * SCALE + rows_p[r, sl]

        sl = pl.ds(j * RCHUNK, RCHUNK)
        wb.append(pltpu.async_copy(
            rows_t.at[sl], out.at[pl.ds(wid * RPW + j * RCHUNK, RCHUNK)], sem_w))
    for c in wb:
        c.wait()


def _ln_body(sum_ref, seg_idx_ref, seg_tab_ref, gamma_ref, beta_ref, out_ref):
    x3 = sum_ref[...].reshape(TSEQ, BATCH, EMBED)
    si = seg_idx_ref[...][:, :, None]
    seg = seg_tab_ref[...]
    s0 = seg[0][None, None, :]
    s1 = seg[1][None, None, :]
    s2 = seg[2][None, None, :]
    x3 = x3 + jnp.where(si == 0, s0, jnp.where(si == 1, s1, s2))
    x = x3.reshape(TROWS, EMBED)
    ones = jnp.full((EMBED, EMBED), 1.0 / EMBED, jnp.float32)
    mean = jax.lax.dot(x, ones)
    sq = jax.lax.dot(x * x, ones)
    var = sq - mean * mean
    y = (x - mean) * lax.rsqrt(var + EPS)
    y = y * gamma_ref[...][None, :] + beta_ref[...][None, :]
    out_ref[...] = y.reshape(TSEQ, BATCH, EMBED)


_ln_kernel = pl.pallas_call(
    _ln_body,
    grid=(GRID,),
    in_specs=[
        pl.BlockSpec((TROWS, EMBED), lambda i: (i, 0)),
        pl.BlockSpec((TSEQ, BATCH), lambda i: (i, 0)),
        pl.BlockSpec((N_SEG, EMBED), lambda i: (0, 0)),
        pl.BlockSpec((EMBED,), lambda i: (0,)),
        pl.BlockSpec((EMBED,), lambda i: (0,)),
    ],
    out_specs=pl.BlockSpec((TSEQ, BATCH, EMBED), lambda i: (i, 0, 0)),
    out_shape=jax.ShapeDtypeStruct((SEQ, BATCH, EMBED), jnp.float32),
)


def kernel(token_sequence, segment_indices, position_indices, token_table,
           segment_table, position_table, ln_gamma, ln_beta):
    all_idx = jnp.stack([token_sequence.astype(jnp.int32),
                         position_indices.astype(jnp.int32)])
    summed = _gather_kernel(all_idx, token_table, position_table)
    return _ln_kernel(summed, segment_indices.astype(jnp.int32),
                      segment_table, ln_gamma, ln_beta)

# --- scband reference (transcript-rebuilt; emitter-appended) ---
"""Pipeline reference for scband-transformer-embedding-25769803795 (READ-ONLY COPY).

The authoritative reference and input builder live on the scoring server;
editing this copy changes nothing except your own understanding.
"""

import jax, jax.numpy as jnp
import numpy as np

VOCAB = 100000
EMBED = 128
N_POS = 2048
N_SEG = 3
SEQ = 2048
BATCH = 4

def setup_inputs(seed: int = 0) -> dict:
    key = jax.random.key(seed)
    k1, k2, k3, k4, k5, k6 = jax.random.split(key, 6)
    token_sequence = jax.random.randint(k1, (SEQ, BATCH), 0, VOCAB, dtype=jnp.int64 if jax.config.jax_enable_x64 else jnp.int32)
    segment_indices = jax.random.randint(k2, (SEQ, BATCH), 0, N_SEG, dtype=jnp.int64 if jax.config.jax_enable_x64 else jnp.int32)
    position_indices = jax.random.randint(k3, (SEQ, BATCH), 0, N_POS, dtype=jnp.int64 if jax.config.jax_enable_x64 else jnp.int32)
    token_table = jax.random.normal(k4, (VOCAB, EMBED), dtype=jnp.float32) * 0.02
    segment_table = jax.random.normal(k5, (N_SEG, EMBED), dtype=jnp.float32) * 0.02
    position_table = jax.random.normal(k6, (N_POS, EMBED), dtype=jnp.float32) * 0.02
    # padding_idx=0 rows are zero in torch nn.Embedding
    token_table = token_table.at[0].set(0.0)
    segment_table = segment_table.at[0].set(0.0)
    position_table = position_table.at[0].set(0.0)
    ln_gamma = jnp.ones((EMBED,), dtype=jnp.float32)
    ln_beta = jnp.zeros((EMBED,), dtype=jnp.float32)
    return {
        'token_sequence': token_sequence,
        'segment_indices': segment_indices,
        'position_indices': position_indices,
        'token_table': token_table,
        'segment_table': segment_table,
        'position_table': position_table,
        'ln_gamma': ln_gamma,
        'ln_beta': ln_beta,
    }

def _layer_norm(x, gamma, beta, eps=1e-5):
    mean = jnp.mean(x, axis=-1, keepdims=True)
    var = jnp.mean(jnp.square(x - mean), axis=-1, keepdims=True)
    return (x - mean) / jnp.sqrt(var + eps) * gamma + beta

def reference(token_sequence, segment_indices, position_indices, token_table, segment_table, position_table, ln_gamma, ln_beta):
    scaling = EMBED ** 0.5
    token_emb = jnp.take(token_table, token_sequence, axis=0) * scaling
    segment_emb = jnp.take(segment_table, segment_indices, axis=0)
    position_emb = jnp.take(position_table, position_indices, axis=0)
    emb = token_emb + segment_emb + position_emb
    emb = _layer_norm(emb, ln_gamma, ln_beta)
    # dropout=0.0 / eval mode -> identity
    return emb

if __name__ == "__main__":
    import jax
    _d = setup_inputs()
    print(jax.jit(kernel)(*tuple(_d.values())))

</pallas_src>

<mosaic_0001>
#map = affine_map<(d0, d1) -> (0, 0, 0)>
#map1 = affine_map<(d0, d1) -> (0, 0)>
module attributes {stable_mosaic.version = 14 : i64} {
  func.func @_gather_kernel(%arg0: i32, %arg1: i32, %arg2: memref<2x2048x4xi32, #tpu.memory_space<hbm>>, %arg3: memref<100000x128xf32, #tpu.memory_space<hbm>>, %arg4: memref<2048x128xf32, #tpu.memory_space<hbm>>, %arg5: memref<8192x128xf32, #tpu.memory_space<hbm>>, %arg6: memref<64x4xi32, #tpu.memory_space<vmem>>, %arg7: memref<64x4xi32, #tpu.memory_space<vmem>>, %arg8: memref<2x128xi32, #tpu.memory_space<vmem>>, %arg9: memref<2x128xi32, #tpu.memory_space<vmem>>, %arg10: memref<256x128xf32, #tpu.memory_space<vmem>>, %arg11: memref<256x128xf32, #tpu.memory_space<vmem>>, %arg12: memref<!tpu.dma_semaphore, #tpu.memory_space<semaphore_mem>>, %arg13: memref<!tpu.dma_semaphore, #tpu.memory_space<semaphore_mem>>, %arg14: memref<!tpu.dma_semaphore, #tpu.memory_space<semaphore_mem>>) attributes {dimension_semantics = [#tpu.dimension_semantics<core_parallel>, #tpu.dimension_semantics<subcore_parallel>], iteration_bounds = array<i64: 2, 16>, scalar_prefetch = 0 : i64, scratch_operands = 9 : i64, tpu.core_type = #tpu.core_type<sc_vector_subcore>, window_params = [{transform_indices = #map}, {transform_indices = #map1}, {transform_indices = #map1}, {transform_indices = #map1}]} {
    %mul3A = arith.constant 2 : i32
    %mul3A_0 = arith.muli %arg1, %mul3A : i32
    %add3A = arith.addi %mul3A_0, %arg0 : i32
    %mul3A_1 = arith.constant 64 : i32
    %mul3A_2 = arith.muli %add3A, %mul3A_1 : i32
    %run_scoped3A = arith.constant 0 : i32
    "tpu.region"() ({
      %run_scoped3A_384 = tpu.sem_alloc : memref<!tpu.dma_semaphore, #tpu.memory_space<semaphore_mem>>
      %dma_start3A_385 = arith.constant 0 : i32
      %dma_start3A_386 = tpu.memref_slice %arg2[%run_scoped3A, %mul3A_2, %dma_start3A_385] : memref<2x2048x4xi32, #tpu.memory_space<hbm>> -> memref<1x64x4xi32, #tpu.memory_space<hbm>>
      %dma_start3A_387 = tpu.memref_squeeze %dma_start3A_386 : memref<1x64x4xi32, #tpu.memory_space<hbm>> -> memref<64x4xi32, #tpu.memory_space<hbm>>
      %dma_start3A_388 = arith.constant 0 : i32
      %dma_start3A_389 = tpu.memref_slice %arg2[%run_scoped3A, %mul3A_2, %dma_start3A_388] : memref<2x2048x4xi32, #tpu.memory_space<hbm>> -> memref<1x64x4xi32, #tpu.memory_space<hbm>>
      %dma_start3A_390 = tpu.memref_squeeze %dma_start3A_389 : memref<1x64x4xi32, #tpu.memory_space<hbm>> -> memref<64x4xi32, #tpu.memory_space<hbm>>
      tpu.enqueue_dma source(%dma_start3A_390 : memref<64x4xi32, #tpu.memory_space<hbm>>) target(%arg6 : memref<64x4xi32, #tpu.memory_space<vmem>>) target_semaphore(%run_scoped3A_384 : memref<!tpu.dma_semaphore, #tpu.memory_space<semaphore_mem>>)
      %dma_wait3A_391 = arith.constant 0 : i32
      %dma_wait3A_392 = tpu.memref_slice %arg2[%run_scoped3A, %mul3A_2, %dma_wait3A_391] : memref<2x2048x4xi32, #tpu.memory_space<hbm>> -> memref<1x64x4xi32, #tpu.memory_space<hbm>>
      %dma_wait3A_393 = tpu.memref_squeeze %dma_wait3A_392 : memref<1x64x4xi32, #tpu.memory_space<hbm>> -> memref<64x4xi32, #tpu.memory_space<hbm>>
      %dma_wait3A_394 = arith.constant 0 : i32
      %dma_wait3A_395 = tpu.memref_slice %arg2[%run_scoped3A, %mul3A_2, %dma_wait3A_394] : memref<2x2048x4xi32, #tpu.memory_space<hbm>> -> memref<1x64x4xi32, #tpu.memory_space<hbm>>
      %dma_wait3A_396 = tpu.memref_squeeze %dma_wait3A_395 : memref<1x64x4xi32, #tpu.memory_space<hbm>> -> memref<64x4xi32, #tpu.memory_space<hbm>>
      tpu.wait_dma2 semaphore(%run_scoped3A_384 : memref<!tpu.dma_semaphore, #tpu.memory_space<semaphore_mem>>) src(%dma_wait3A_396 : memref<64x4xi32, #tpu.memory_space<hbm>>) dst(%arg6 : memref<64x4xi32, #tpu.memory_space<vmem>>)
      tpu.yield
    }) : () -> ()
    %run_scoped3A_3 = arith.constant 1 : i32
    "tpu.region"() ({
      %run_scoped3A_384 = tpu.sem_alloc : memref<!tpu.dma_semaphore, #tpu.memory_space<semaphore_mem>>
      %dma_start3A_385 = arith.constant 0 : i32
      %dma_start3A_386 = tpu.memref_slice %arg2[%run_scoped3A_3, %mul3A_2, %dma_start3A_385] : memref<2x2048x4xi32, #tpu.memory_space<hbm>> -> memref<1x64x4xi32, #tpu.memory_space<hbm>>
      %dma_start3A_387 = tpu.memref_squeeze %dma_start3A_386 : memref<1x64x4xi32, #tpu.memory_space<hbm>> -> memref<64x4xi32, #tpu.memory_space<hbm>>
      %dma_start3A_388 = arith.constant 0 : i32
      %dma_start3A_389 = tpu.memref_slice %arg2[%run_scoped3A_3, %mul3A_2, %dma_start3A_388] : memref<2x2048x4xi32, #tpu.memory_space<hbm>> -> memref<1x64x4xi32, #tpu.memory_space<hbm>>
      %dma_start3A_390 = tpu.memref_squeeze %dma_start3A_389 : memref<1x64x4xi32, #tpu.memory_space<hbm>> -> memref<64x4xi32, #tpu.memory_space<hbm>>
      tpu.enqueue_dma source(%dma_start3A_390 : memref<64x4xi32, #tpu.memory_space<hbm>>) target(%arg7 : memref<64x4xi32, #tpu.memory_space<vmem>>) target_semaphore(%run_scoped3A_384 : memref<!tpu.dma_semaphore, #tpu.memory_space<semaphore_mem>>)
      %dma_wait3A_391 = arith.constant 0 : i32
      %dma_wait3A_392 = tpu.memref_slice %arg2[%run_scoped3A_3, %mul3A_2, %dma_wait3A_391] : memref<2x2048x4xi32, #tpu.memory_space<hbm>> -> memref<1x64x4xi32, #tpu.memory_space<hbm>>
      %dma_wait3A_393 = tpu.memref_squeeze %dma_wait3A_392 : memref<1x64x4xi32, #tpu.memory_space<hbm>> -> memref<64x4xi32, #tpu.memory_space<hbm>>
      %dma_wait3A_394 = arith.constant 0 : i32
      %dma_wait3A_395 = tpu.memref_slice %arg2[%run_scoped3A_3, %mul3A_2, %dma_wait3A_394] : memref<2x2048x4xi32, #tpu.memory_space<hbm>> -> memref<1x64x4xi32, #tpu.memory_space<hbm>>
      %dma_wait3A_396 = tpu.memref_squeeze %dma_wait3A_395 : memref<1x64x4xi32, #tpu.memory_space<hbm>> -> memref<64x4xi32, #tpu.memory_space<hbm>>
      tpu.wait_dma2 semaphore(%run_scoped3A_384 : memref<!tpu.dma_semaphore, #tpu.memory_space<semaphore_mem>>) src(%dma_wait3A_396 : memref<64x4xi32, #tpu.memory_space<hbm>>) dst(%arg7 : memref<64x4xi32, #tpu.memory_space<vmem>>)
      tpu.yield
    }) : () -> ()
    %iota3A = tpu.iota {dimensions = array<i32: 0>} : vector<16xi32>
    %jit3A = arith.constant 4 : i32
    %div3A = vector.broadcast %jit3A : i32 to vector<16xi32>
    %div3A_4 = arith.divsi %iota3A, %div3A : vector<16xi32>
    %sign3A = arith.constant 0 : i32
    %sign3A_5 = vector.broadcast %sign3A : i32 to vector<16xi32>
    %sign3A_6 = arith.cmpi sgt, %iota3A, %sign3A_5 : vector<16xi32>
    %sign3A_7 = arith.extui %sign3A_6 : vector<16xi1> to vector<16xi32>
    %sign3A_8 = arith.constant 0 : i32
    %sign3A_9 = vector.broadcast %sign3A_8 : i32 to vector<16xi32>
    %sign3A_10 = arith.cmpi slt, %iota3A, %sign3A_9 : vector<16xi32>
    %sign3A_11 = arith.extui %sign3A_10 : vector<16xi1> to vector<16xi32>
    %sign3A_12 = arith.subi %sign3A_7, %sign3A_11 : vector<16xi32>
    %sign3A_13 = arith.constant 0 : i32
    %sign3A_14 = arith.cmpi sgt, %jit3A, %sign3A_13 : i32
    %sign3A_15 = arith.extui %sign3A_14 : i1 to i32
    %sign3A_16 = arith.constant 0 : i32
    %sign3A_17 = arith.cmpi slt, %jit3A, %sign3A_16 : i32
    %sign3A_18 = arith.extui %sign3A_17 : i1 to i32
    %sign3A_19 = arith.subi %sign3A_15, %sign3A_18 : i32
    %ne3A = vector.broadcast %sign3A_19 : i32 to vector<16xi32>
    %ne3A_20 = arith.cmpi ne, %sign3A_12, %ne3A : vector<16xi32>
    %rem3A = vector.broadcast %jit3A : i32 to vector<16xi32>
    %rem3A_21 = arith.remsi %iota3A, %rem3A : vector<16xi32>
    %ne3A_22 = arith.constant 0 : i32
    %ne3A_23 = vector.broadcast %ne3A_22 : i32 to vector<16xi32>
    %ne3A_24 = arith.cmpi ne, %rem3A_21, %ne3A_23 : vector<16xi32>
    %and3A = arith.andi %ne3A_20, %ne3A_24 : vector<16xi1>
    %sub3A = arith.constant 1 : i32
    %sub3A_25 = vector.broadcast %sub3A : i32 to vector<16xi32>
    %sub3A_26 = arith.subi %div3A_4, %sub3A_25 : vector<16xi32>
    %select_n3A = arith.select %and3A, %sub3A_26, %div3A_4 : vector<16xi1>, vector<16xi32>
    %jit3A_27 = arith.constant 4 : i32
    %eq3A = arith.constant 0 : i32
    %eq3A_28 = arith.cmpi eq, %jit3A_27, %eq3A : i32
    %jit3A_29 = arith.constant 1 : i32
    %select_n3A_30 = arith.select %eq3A_28, %jit3A_29, %jit3A_27 : i32
    %rem3A_31 = vector.broadcast %select_n3A_30 : i32 to vector<16xi32>
    %rem3A_32 = arith.remsi %iota3A, %rem3A_31 : vector<16xi32>
    %ne3A_33 = arith.constant 0 : i32
    %ne3A_34 = vector.broadcast %ne3A_33 : i32 to vector<16xi32>
    %ne3A_35 = arith.cmpi ne, %rem3A_32, %ne3A_34 : vector<16xi32>
    %lt3A = arith.constant 0 : i32
    %lt3A_36 = vector.broadcast %lt3A : i32 to vector<16xi32>
    %lt3A_37 = arith.cmpi slt, %rem3A_32, %lt3A_36 : vector<16xi32>
    %lt3A_38 = arith.constant 0 : i32
    %lt3A_39 = arith.cmpi slt, %select_n3A_30, %lt3A_38 : i32
    %ne3A_40 = vector.broadcast %lt3A_39 : i1 to vector<16xi1>
    %ne3A_41 = vector.broadcast %ne3A_40 : vector<16xi1> to vector<16xi1>
    %ne3A_42 = arith.xori %lt3A_37, %ne3A_41 : vector<16xi1>
    %and3A_43 = arith.andi %ne3A_42, %ne3A_35 : vector<16xi1>
    %add3A_44 = vector.broadcast %select_n3A_30 : i32 to vector<16xi32>
    %add3A_45 = arith.addi %rem3A_32, %add3A_44 : vector<16xi32>
    %select_n3A_46 = arith.select %and3A_43, %add3A_45, %rem3A_32 : vector<16xi1>, vector<16xi32>
    %add3A_47 = arith.constant 0 : i32
    %add3A_48 = vector.broadcast %add3A_47 : i32 to vector<16xi32>
    %add3A_49 = arith.addi %add3A_48, %select_n3A : vector<16xi32>
    %gather3A = tpu.vector_load_idx %arg6[%add3A_49, %select_n3A_46] : memref<64x4xi32, #tpu.memory_space<vmem>>[vector<16xi32>, vector<16xi32>], vector<16xi32>,
    %gather3A_50 = tpu.vector_load_idx %arg7[%add3A_49, %select_n3A_46] : memref<64x4xi32, #tpu.memory_space<vmem>>[vector<16xi32>, vector<16xi32>], vector<16xi32>,
    %swap3A = arith.constant 0 : i32
    %swap3A_51 = arith.index_cast %swap3A : i32 to index
    %swap3A_52 = arith.constant 0 : index
    %swap3A_53 = tpu.vector_load %arg8[%swap3A_51, %swap3A_52] {strides = array<i32>} : memref<2x128xi32, #tpu.memory_space<vmem>>, vector<16xi32>,
    tpu.vector_store %arg8[%swap3A_51, %swap3A_52], %gather3A {strides = array<i32>} : memref<2x128xi32, #tpu.memory_space<vmem>>, vector<16xi32>,
    %swap3A_54 = arith.constant 0 : i32
    %swap3A_55 = arith.index_cast %swap3A_54 : i32 to index
    %swap3A_56 = arith.constant 0 : index
    %swap3A_57 = tpu.vector_load %arg9[%swap3A_55, %swap3A_56] {strides = array<i32>} : memref<2x128xi32, #tpu.memory_space<vmem>>, vector<16xi32>,
    tpu.vector_store %arg9[%swap3A_55, %swap3A_56], %gather3A_50 {strides = array<i32>} : memref<2x128xi32, #tpu.memory_space<vmem>>, vector<16xi32>,
    %add3A_58 = arith.constant 4 : i32
    %add3A_59 = vector.broadcast %add3A_58 : i32 to vector<16xi32>
    %add3A_60 = arith.addi %add3A_59, %select_n3A : vector<16xi32>
    %gather3A_61 = tpu.vector_load_idx %arg6[%add3A_60, %select_n3A_46] : memref<64x4xi32, #tpu.memory_space<vmem>>[vector<16xi32>, vector<16xi32>], vector<16xi32>,
    %gather3A_62 = tpu.vector_load_idx %arg7[%add3A_60, %select_n3A_46] : memref<64x4xi32, #tpu.memory_space<vmem>>[vector<16xi32>, vector<16xi32>], vector<16xi32>,
    %swap3A_63 = arith.constant 0 : i32
    %swap3A_64 = arith.index_cast %swap3A_63 : i32 to index
    %swap3A_65 = arith.constant 16 : index
    %swap3A_66 = tpu.vector_load %arg8[%swap3A_64, %swap3A_65] {strides = array<i32>} : memref<2x128xi32, #tpu.memory_space<vmem>>, vector<16xi32>,
    tpu.vector_store %arg8[%swap3A_64, %swap3A_65], %gather3A_61 {strides = array<i32>} : memref<2x128xi32, #tpu.memory_space<vmem>>, vector<16xi32>,
    %swap3A_67 = arith.constant 0 : i32
    %swap3A_68 = arith.index_cast %swap3A_67 : i32 to index
    %swap3A_69 = arith.constant 16 : index
    %swap3A_70 = tpu.vector_load %arg9[%swap3A_68, %swap3A_69] {strides = array<i32>} : memref<2x128xi32, #tpu.memory_space<vmem>>, vector<16xi32>,
    tpu.vector_store %arg9[%swap3A_68, %swap3A_69], %gather3A_62 {strides = array<i32>} : memref<2x128xi32, #tpu.memory_space<vmem>>, vector<16xi32>,
    %add3A_71 = arith.constant 8 : i32
    %add3A_72 = vector.broadcast %add3A_71 : i32 to vector<16xi32>
    %add3A_73 = arith.addi %add3A_72, %select_n3A : vector<16xi32>
    %gather3A_74 = tpu.vector_load_idx %arg6[%add3A_73, %select_n3A_46] : memref<64x4xi32, #tpu.memory_space<vmem>>[vector<16xi32>, vector<16xi32>], vector<16xi32>,
    %gather3A_75 = tpu.vector_load_idx %arg7[%add3A_73, %select_n3A_46] : memref<64x4xi32, #tpu.memory_space<vmem>>[vector<16xi32>, vector<16xi32>], vector<16xi32>,
    %swap3A_76 = arith.constant 0 : i32
    %swap3A_77 = arith.index_cast %swap3A_76 : i32 to index
    %swap3A_78 = arith.constant 32 : index
    %swap3A_79 = tpu.vector_load %arg8[%swap3A_77, %swap3A_78] {strides = array<i32>} : memref<2x128xi32, #tpu.memory_space<vmem>>, vector<16xi32>,
    tpu.vector_store %arg8[%swap3A_77, %swap3A_78], %gather3A_74 {strides = array<i32>} : memref<2x128xi32, #tpu.memory_space<vmem>>, vector<16xi32>,
    %swap3A_80 = arith.constant 0 : i32
    %swap3A_81 = arith.index_cast %swap3A_80 : i32 to index
    %swap3A_82 = arith.constant 32 : index
    %swap3A_83 = tpu.vector_load %arg9[%swap3A_81, %swap3A_82] {strides = array<i32>} : memref<2x128xi32, #tpu.memory_space<vmem>>, vector<16xi32>,
    tpu.vector_store %arg9[%swap3A_81, %swap3A_82], %gather3A_75 {strides = array<i32>} : memref<2x128xi32, #tpu.memory_space<vmem>>, vector<16xi32>,
    %add3A_84 = arith.constant 12 : i32
    %add3A_85 = vector.broadcast %add3A_84 : i32 to vector<16xi32>
    %add3A_86 = arith.addi %add3A_85, %select_n3A : vector<16xi32>
    %gather3A_87 = tpu.vector_load_idx %arg6[%add3A_86, %select_n3A_46] : memref<64x4xi32, #tpu.memory_space<vmem>>[vector<16xi32>, vector<16xi32>], vector<16xi32>,
    %gather3A_88 = tpu.vector_load_idx %arg7[%add3A_86, %select_n3A_46] : memref<64x4xi32, #tpu.memory_space<vmem>>[vector<16xi32>, vector<16xi32>], vector<16xi32>,
    %swap3A_89 = arith.constant 0 : i32
    %swap3A_90 = arith.index_cast %swap3A_89 : i32 to index
    %swap3A_91 = arith.constant 48 : index
    %swap3A_92 = tpu.vector_load %arg8[%swap3A_90, %swap3A_91] {strides = array<i32>} : memref<2x128xi32, #tpu.memory_space<vmem>>, vector<16xi32>,
    tpu.vector_store %arg8[%swap3A_90, %swap3A_91], %gather3A_87 {strides = array<i32>} : memref<2x128xi32, #tpu.memory_space<vmem>>, vector<16xi32>,
    %swap3A_93 = arith.constant 0 : i32
    %swap3A_94 = arith.index_cast %swap3A_93 : i32 to index
    %swap3A_95 = arith.constant 48 : index
    %swap3A_96 = tpu.vector_load %arg9[%swap3A_94, %swap3A_95] {strides = array<i32>} : memref<2x128xi32, #tpu.memory_space<vmem>>, vector<16xi32>,
    tpu.vector_store %arg9[%swap3A_94, %swap3A_95], %gather3A_88 {strides = array<i32>} : memref<2x128xi32, #tpu.memory_space<vmem>>, vector<16xi32>,
    %add3A_97 = arith.constant 16 : i32
    %add3A_98 = vector.broadcast %add3A_97 : i32 to vector<16xi32>
    %add3A_99 = arith.addi %add3A_98, %select_n3A : vector<16xi32>
    %gather3A_100 = tpu.vector_load_idx %arg6[%add3A_99, %select_n3A_46] : memref<64x4xi32, #tpu.memory_space<vmem>>[vector<16xi32>, vector<16xi32>], vector<16xi32>,
    %gather3A_101 = tpu.vector_load_idx %arg7[%add3A_99, %select_n3A_46] : memref<64x4xi32, #tpu.memory_space<vmem>>[vector<16xi32>, vector<16xi32>], vector<16xi32>,
    %swap3A_102 = arith.constant 0 : i32
    %swap3A_103 = arith.index_cast %swap3A_102 : i32 to index
    %swap3A_104 = arith.constant 64 : index
    %swap3A_105 = tpu.vector_load %arg8[%swap3A_103, %swap3A_104] {strides = array<i32>} : memref<2x128xi32, #tpu.memory_space<vmem>>, vector<16xi32>,
    tpu.vector_store %arg8[%swap3A_103, %swap3A_104], %gather3A_100 {strides = array<i32>} : memref<2x128xi32, #tpu.memory_space<vmem>>, vector<16xi32>,
    %swap3A_106 = arith.constant 0 : i32
    %swap3A_107 = arith.index_cast %swap3A_106 : i32 to index
    %swap3A_108 = arith.constant 64 : index
    %swap3A_109 = tpu.vector_load %arg9[%swap3A_107, %swap3A_108] {strides = array<i32>} : memref<2x128xi32, #tpu.memory_space<vmem>>, vector<16xi32>,
    tpu.vector_store %arg9[%swap3A_107, %swap3A_108], %gather3A_101 {strides = array<i32>} : memref<2x128xi32, #tpu.memory_space<vmem>>, vector<16xi32>,
    %add3A_110 = arith.constant 20 : i32
    %add3A_111 = vector.broadcast %add3A_110 : i32 to vector<16xi32>
    %add3A_112 = arith.addi %add3A_111, %select_n3A : vector<16xi32>
    %gather3A_113 = tpu.vector_load_idx %arg6[%add3A_112, %select_n3A_46] : memref<64x4xi32, #tpu.memory_space<vmem>>[vector<16xi32>, vector<16xi32>], vector<16xi32>,
    %gather3A_114 = tpu.vector_load_idx %arg7[%add3A_112, %select_n3A_46] : memref<64x4xi32, #tpu.memory_space<vmem>>[vector<16xi32>, vector<16xi32>], vector<16xi32>,
    %swap3A_115 = arith.constant 0 : i32
    %swap3A_116 = arith.index_cast %swap3A_115 : i32 to index
    %swap3A_117 = arith.constant 80 : index
    %swap3A_118 = tpu.vector_load %arg8[%swap3A_116, %swap3A_117] {strides = array<i32>} : memref<2x128xi32, #tpu.memory_space<vmem>>, vector<16xi32>,
    tpu.vector_store %arg8[%swap3A_116, %swap3A_117], %gather3A_113 {strides = array<i32>} : memref<2x128xi32, #tpu.memory_space<vmem>>, vector<16xi32>,
    %swap3A_119 = arith.constant 0 : i32
    %swap3A_120 = arith.index_cast %swap3A_119 : i32 to index
    %swap3A_121 = arith.constant 80 : index
    %swap3A_122 = tpu.vector_load %arg9[%swap3A_120, %swap3A_121] {strides = array<i32>} : memref<2x128xi32, #tpu.memory_space<vmem>>, vector<16xi32>,
    tpu.vector_store %arg9[%swap3A_120, %swap3A_121], %gather3A_114 {strides = array<i32>} : memref<2x128xi32, #tpu.memory_space<vmem>>, vector<16xi32>,
    %add3A_123 = arith.constant 24 : i32
    %add3A_124 = vector.broadcast %add3A_123 : i32 to vector<16xi32>
    %add3A_125 = arith.addi %add3A_124, %select_n3A : vector<16xi32>
    %gather3A_126 = tpu.vector_load_idx %arg6[%add3A_125, %select_n3A_46] : memref<64x4xi32, #tpu.memory_space<vmem>>[vector<16xi32>, vector<16xi32>], vector<16xi32>,
    %gather3A_127 = tpu.vector_load_idx %arg7[%add3A_125, %select_n3A_46] : memref<64x4xi32, #tpu.memory_space<vmem>>[vector<16xi32>, vector<16xi32>], vector<16xi32>,
    %swap3A_128 = arith.constant 0 : i32
    %swap3A_129 = arith.index_cast %swap3A_128 : i32 to index
    %swap3A_130 = arith.constant 96 : index
    %swap3A_131 = tpu.vector_load %arg8[%swap3A_129, %swap3A_130] {strides = array<i32>} : memref<2x128xi32, #tpu.memory_space<vmem>>, vector<16xi32>,
    tpu.vector_store %arg8[%swap3A_129, %swap3A_130], %gather3A_126 {strides = array<i32>} : memref<2x128xi32, #tpu.memory_space<vmem>>, vector<16xi32>,
    %swap3A_132 = arith.constant 0 : i32
    %swap3A_133 = arith.index_cast %swap3A_132 : i32 to index
    %swap3A_134 = arith.constant 96 : index
    %swap3A_135 = tpu.vector_load %arg9[%swap3A_133, %swap3A_134] {strides = array<i32>} : memref<2x128xi32, #tpu.memory_space<vmem>>, vector<16xi32>,
    tpu.vector_store %arg9[%swap3A_133, %swap3A_134], %gather3A_127 {strides = array<i32>} : memref<2x128xi32, #tpu.memory_space<vmem>>, vector<16xi32>,
    %add3A_136 = arith.constant 28 : i32
    %add3A_137 = vector.broadcast %add3A_136 : i32 to vector<16xi32>
    %add3A_138 = arith.addi %add3A_137, %select_n3A : vector<16xi32>
    %gather3A_139 = tpu.vector_load_idx %arg6[%add3A_138, %select_n3A_46] : memref<64x4xi32, #tpu.memory_space<vmem>>[vector<16xi32>, vector<16xi32>], vector<16xi32>,
    %gather3A_140 = tpu.vector_load_idx %arg7[%add3A_138, %select_n3A_46] : memref<64x4xi32, #tpu.memory_space<vmem>>[vector<16xi32>, vector<16xi32>], vector<16xi32>,
    %swap3A_141 = arith.constant 0 : i32
    %swap3A_142 = arith.index_cast %swap3A_141 : i32 to index
    %swap3A_143 = arith.constant 112 : index
    %swap3A_144 = tpu.vector_load %arg8[%swap3A_142, %swap3A_143] {strides = array<i32>} : memref<2x128xi32, #tpu.memory_space<vmem>>, vector<16xi32>,
    tpu.vector_store %arg8[%swap3A_142, %swap3A_143], %gather3A_139 {strides = array<i32>} : memref<2x128xi32, #tpu.memory_space<vmem>>, vector<16xi32>,
    %swap3A_145 = arith.constant 0 : i32
    %swap3A_146 = arith.index_cast %swap3A_145 : i32 to index
    %swap3A_147 = arith.constant 112 : index
    %swap3A_148 = tpu.vector_load %arg9[%swap3A_146, %swap3A_147] {strides = array<i32>} : memref<2x128xi32, #tpu.memory_space<vmem>>, vector<16xi32>,
    tpu.vector_store %arg9[%swap3A_146, %swap3A_147], %gather3A_140 {strides = array<i32>} : memref<2x128xi32, #tpu.memory_space<vmem>>, vector<16xi32>,
    %add3A_149 = arith.constant 32 : i32
    %add3A_150 = vector.broadcast %add3A_149 : i32 to vector<16xi32>
    %add3A_151 = arith.addi %add3A_150, %select_n3A : vector<16xi32>
    %gather3A_152 = tpu.vector_load_idx %arg6[%add3A_151, %select_n3A_46] : memref<64x4xi32, #tpu.memory_space<vmem>>[vector<16xi32>, vector<16xi32>], vector<16xi32>,
    %gather3A_153 = tpu.vector_load_idx %arg7[%add3A_151, %select_n3A_46] : memref<64x4xi32, #tpu.memory_space<vmem>>[vector<16xi32>, vector<16xi32>], vector<16xi32>,
    %swap3A_154 = arith.constant 1 : i32
    %swap3A_155 = arith.index_cast %swap3A_154 : i32 to index
    %swap3A_156 = arith.constant 0 : index
    %swap3A_157 = tpu.vector_load %arg8[%swap3A_155, %swap3A_156] {strides = array<i32>} : memref<2x128xi32, #tpu.memory_space<vmem>>, vector<16xi32>,
    tpu.vector_store %arg8[%swap3A_155, %swap3A_156], %gather3A_152 {strides = array<i32>} : memref<2x128xi32, #tpu.memory_space<vmem>>, vector<16xi32>,
    %swap3A_158 = arith.constant 1 : i32
    %swap3A_159 = arith.index_cast %swap3A_158 : i32 to index
    %swap3A_160 = arith.constant 0 : index
    %swap3A_161 = tpu.vector_load %arg9[%swap3A_159, %swap3A_160] {strides = array<i32>} : memref<2x128xi32, #tpu.memory_space<vmem>>, vector<16xi32>,
    tpu.vector_store %arg9[%swap3A_159, %swap3A_160], %gather3A_153 {strides = array<i32>} : memref<2x128xi32, #tpu.memory_space<vmem>>, vector<16xi32>,
    %add3A_162 = arith.constant 36 : i32
    %add3A_163 = vector.broadcast %add3A_162 : i32 to vector<16xi32>
    %add3A_164 = arith.addi %add3A_163, %select_n3A : vector<16xi32>
    %gather3A_165 = tpu.vector_load_idx %arg6[%add3A_164, %select_n3A_46] : memref<64x4xi32, #tpu.memory_space<vmem>>[vector<16xi32>, vector<16xi32>], vector<16xi32>,
    %gather3A_166 = tpu.vector_load_idx %arg7[%add3A_164, %select_n3A_46] : memref<64x4xi32, #tpu.memory_space<vmem>>[vector<16xi32>, vector<16xi32>], vector<16xi32>,
    %swap3A_167 = arith.constant 1 : i32
    %swap3A_168 = arith.index_cast %swap3A_167 : i32 to index
    %swap3A_169 = arith.constant 16 : index
    %swap3A_170 = tpu.vector_load %arg8[%swap3A_168, %swap3A_169] {strides = array<i32>} : memref<2x128xi32, #tpu.memory_space<vmem>>, vector<16xi32>,
    tpu.vector_store %arg8[%swap3A_168, %swap3A_169], %gather3A_165 {strides = array<i32>} : memref<2x128xi32, #tpu.memory_space<vmem>>, vector<16xi32>,
    %swap3A_171 = arith.constant 1 : i32
    %swap3A_172 = arith.index_cast %swap3A_171 : i32 to index
    %swap3A_173 = arith.constant 16 : index
    %swap3A_174 = tpu.vector_load %arg9[%swap3A_172, %swap3A_173] {strides = array<i32>} : memref<2x128xi32, #tpu.memory_space<vmem>>, vector<16xi32>,
    tpu.vector_store %arg9[%swap3A_172, %swap3A_173], %gather3A_166 {strides = array<i32>} : memref<2x128xi32, #tpu.memory_space<vmem>>, vector<16xi32>,
    %add3A_175 = arith.constant 40 : i32
    %add3A_176 = vector.broadcast %add3A_175 : i32 to vector<16xi32>
    %add3A_177 = arith.addi %add3A_176, %select_n3A : vector<16xi32>
    %gather3A_178 = tpu.vector_load_idx %arg6[%add3A_177, %select_n3A_46] : memref<64x4xi32, #tpu.memory_space<vmem>>[vector<16xi32>, vector<16xi32>], vector<16xi32>,
    %gather3A_179 = tpu.vector_load_idx %arg7[%add3A_177, %select_n3A_46] : memref<64x4xi32, #tpu.memory_space<vmem>>[vector<16xi32>, vector<16xi32>], vector<16xi32>,
    %swap3A_180 = arith.constant 1 : i32
    %swap3A_181 = arith.index_cast %swap3A_180 : i32 to index
    %swap3A_182 = arith.constant 32 : index
    %swap3A_183 = tpu.vector_load %arg8[%swap3A_181, %swap3A_182] {strides = array<i32>} : memref<2x128xi32, #tpu.memory_space<vmem>>, vector<16xi32>,
    tpu.vector_store %arg8[%swap3A_181, %swap3A_182], %gather3A_178 {strides = array<i32>} : memref<2x128xi32, #tpu.memory_space<vmem>>, vector<16xi32>,
    %swap3A_184 = arith.constant 1 : i32
    %swap3A_185 = arith.index_cast %swap3A_184 : i32 to index
    %swap3A_186 = arith.constant 32 : index
    %swap3A_187 = tpu.vector_load %arg9[%swap3A_185, %swap3A_186] {strides = array<i32>} : memref<2x128xi32, #tpu.memory_space<vmem>>, vector<16xi32>,
    tpu.vector_store %arg9[%swap3A_185, %swap3A_186], %gather3A_179 {strides = array<i32>} : memref<2x128xi32, #tpu.memory_space<vmem>>, vector<16xi32>,
    %add3A_188 = arith.constant 44 : i32
    %add3A_189 = vector.broadcast %add3A_188 : i32 to vector<16xi32>
    %add3A_190 = arith.addi %add3A_189, %select_n3A : vector<16xi32>
    %gather3A_191 = tpu.vector_load_idx %arg6[%add3A_190, %select_n3A_46] : memref<64x4xi32, #tpu.memory_space<vmem>>[vector<16xi32>, vector<16xi32>], vector<16xi32>,
    %gather3A_192 = tpu.vector_load_idx %arg7[%add3A_190, %select_n3A_46] : memref<64x4xi32, #tpu.memory_space<vmem>>[vector<16xi32>, vector<16xi32>], vector<16xi32>,
    %swap3A_193 = arith.constant 1 : i32
    %swap3A_194 = arith.index_cast %swap3A_193 : i32 to index
    %swap3A_195 = arith.constant 48 : index
    %swap3A_196 = tpu.vector_load %arg8[%swap3A_194, %swap3A_195] {strides = array<i32>} : memref<2x128xi32, #tpu.memory_space<vmem>>, vector<16xi32>,
    tpu.vector_store %arg8[%swap3A_194, %swap3A_195], %gather3A_191 {strides = array<i32>} : memref<2x128xi32, #tpu.memory_space<vmem>>, vector<16xi32>,
    %swap3A_197 = arith.constant 1 : i32
    %swap3A_198 = arith.index_cast %swap3A_197 : i32 to index
    %swap3A_199 = arith.constant 48 : index
    %swap3A_200 = tpu.vector_load %arg9[%swap3A_198, %swap3A_199] {strides = array<i32>} : memref<2x128xi32, #tpu.memory_space<vmem>>, vector<16xi32>,
    tpu.vector_store %arg9[%swap3A_198, %swap3A_199], %gather3A_192 {strides = array<i32>} : memref<2x128xi32, #tpu.memory_space<vmem>>, vector<16xi32>,
    %add3A_201 = arith.constant 48 : i32
    %add3A_202 = vector.broadcast %add3A_201 : i32 to vector<16xi32>
    %add3A_203 = arith.addi %add3A_202, %select_n3A : vector<16xi32>
    %gather3A_204 = tpu.vector_load_idx %arg6[%add3A_203, %select_n3A_46] : memref<64x4xi32, #tpu.memory_space<vmem>>[vector<16xi32>, vector<16xi32>], vector<16xi32>,
    %gather3A_205 = tpu.vector_load_idx %arg7[%add3A_203, %select_n3A_46] : memref<64x4xi32, #tpu.memory_space<vmem>>[vector<16xi32>, vector<16xi32>], vector<16xi32>,
    %swap3A_206 = arith.constant 1 : i32
    %swap3A_207 = arith.index_cast %swap3A_206 : i32 to index
    %swap3A_208 = arith.constant 64 : index
    %swap3A_209 = tpu.vector_load %arg8[%swap3A_207, %swap3A_208] {strides = array<i32>} : memref<2x128xi32, #tpu.memory_space<vmem>>, vector<16xi32>,
    tpu.vector_store %arg8[%swap3A_207, %swap3A_208], %gather3A_204 {strides = array<i32>} : memref<2x128xi32, #tpu.memory_space<vmem>>, vector<16xi32>,
    %swap3A_210 = arith.constant 1 : i32
    %swap3A_211 = arith.index_cast %swap3A_210 : i32 to index
    %swap3A_212 = arith.constant 64 : index
    %swap3A_213 = tpu.vector_load %arg9[%swap3A_211, %swap3A_212] {strides = array<i32>} : memref<2x128xi32, #tpu.memory_space<vmem>>, vector<16xi32>,
    tpu.vector_store %arg9[%swap3A_211, %swap3A_212], %gather3A_205 {strides = array<i32>} : memref<2x128xi32, #tpu.memory_space<vmem>>, vector<16xi32>,
    %add3A_214 = arith.constant 52 : i32
    %add3A_215 = vector.broadcast %add3A_214 : i32 to vector<16xi32>
    %add3A_216 = arith.addi %add3A_215, %select_n3A : vector<16xi32>
    %gather3A_217 = tpu.vector_load_idx %arg6[%add3A_216, %select_n3A_46] : memref<64x4xi32, #tpu.memory_space<vmem>>[vector<16xi32>, vector<16xi32>], vector<16xi32>,
    %gather3A_218 = tpu.vector_load_idx %arg7[%add3A_216, %select_n3A_46] : memref<64x4xi32, #tpu.memory_space<vmem>>[vector<16xi32>, vector<16xi32>], vector<16xi32>,
    %swap3A_219 = arith.constant 1 : i32
    %swap3A_220 = arith.index_cast %swap3A_219 : i32 to index
    %swap3A_221 = arith.constant 80 : index
    %swap3A_222 = tpu.vector_load %arg8[%swap3A_220, %swap3A_221] {strides = array<i32>} : memref<2x128xi32, #tpu.memory_space<vmem>>, vector<16xi32>,
    tpu.vector_store %arg8[%swap3A_220, %swap3A_221], %gather3A_217 {strides = array<i32>} : memref<2x128xi32, #tpu.memory_space<vmem>>, vector<16xi32>,
    %swap3A_223 = arith.constant 1 : i32
    %swap3A_224 = arith.index_cast %swap3A_223 : i32 to index
    %swap3A_225 = arith.constant 80 : index
    %swap3A_226 = tpu.vector_load %arg9[%swap3A_224, %swap3A_225] {strides = array<i32>} : memref<2x128xi32, #tpu.memory_space<vmem>>, vector<16xi32>,
    tpu.vector_store %arg9[%swap3A_224, %swap3A_225], %gather3A_218 {strides = array<i32>} : memref<2x128xi32, #tpu.memory_space<vmem>>, vector<16xi32>,
    %add3A_227 = arith.constant 56 : i32
    %add3A_228 = vector.broadcast %add3A_227 : i32 to vector<16xi32>
    %add3A_229 = arith.addi %add3A_228, %select_n3A : vector<16xi32>
    %gather3A_230 = tpu.vector_load_idx %arg6[%add3A_229, %select_n3A_46] : memref<64x4xi32, #tpu.memory_space<vmem>>[vector<16xi32>, vector<16xi32>], vector<16xi32>,
    %gather3A_231 = tpu.vector_load_idx %arg7[%add3A_229, %select_n3A_46] : memref<64x4xi32, #tpu.memory_space<vmem>>[vector<16xi32>, vector<16xi32>], vector<16xi32>,
    %swap3A_232 = arith.constant 1 : i32
    %swap3A_233 = arith.index_cast %swap3A_232 : i32 to index
    %swap3A_234 = arith.constant 96 : index
    %swap3A_235 = tpu.vector_load %arg8[%swap3A_233, %swap3A_234] {strides = array<i32>} : memref<2x128xi32, #tpu.memory_space<vmem>>, vector<16xi32>,
    tpu.vector_store %arg8[%swap3A_233, %swap3A_234], %gather3A_230 {strides = array<i32>} : memref<2x128xi32, #tpu.memory_space<vmem>>, vector<16xi32>,
    %swap3A_236 = arith.constant 1 : i32
    %swap3A_237 = arith.index_cast %swap3A_236 : i32 to index
    %swap3A_238 = arith.constant 96 : index
    %swap3A_239 = tpu.vector_load %arg9[%swap3A_237, %swap3A_238] {strides = array<i32>} : memref<2x128xi32, #tpu.memory_space<vmem>>, vector<16xi32>,
    tpu.vector_store %arg9[%swap3A_237, %swap3A_238], %gather3A_231 {strides = array<i32>} : memref<2x128xi32, #tpu.memory_space<vmem>>, vector<16xi32>,
    %add3A_240 = arith.constant 60 : i32
    %add3A_241 = vector.broadcast %add3A_240 : i32 to vector<16xi32>
    %add3A_242 = arith.addi %add3A_241, %select_n3A : vector<16xi32>
    %gather3A_243 = tpu.vector_load_idx %arg6[%add3A_242, %select_n3A_46] : memref<64x4xi32, #tpu.memory_space<vmem>>[vector<16xi32>, vector<16xi32>], vector<16xi32>,
    %gather3A_244 = tpu.vector_load_idx %arg7[%add3A_242, %select_n3A_46] : memref<64x4xi32, #tpu.memory_space<vmem>>[vector<16xi32>, vector<16xi32>], vector<16xi32>,
    %swap3A_245 = arith.constant 1 : i32
    %swap3A_246 = arith.index_cast %swap3A_245 : i32 to index
    %swap3A_247 = arith.constant 112 : index
    %swap3A_248 = tpu.vector_load %arg8[%swap3A_246, %swap3A_247] {strides = array<i32>} : memref<2x128xi32, #tpu.memory_space<vmem>>, vector<16xi32>,
    tpu.vector_store %arg8[%swap3A_246, %swap3A_247], %gather3A_243 {strides = array<i32>} : memref<2x128xi32, #tpu.memory_space<vmem>>, vector<16xi32>,
    %swap3A_249 = arith.constant 1 : i32
    %swap3A_250 = arith.index_cast %swap3A_249 : i32 to index
    %swap3A_251 = arith.constant 112 : index
    %swap3A_252 = tpu.vector_load %arg9[%swap3A_250, %swap3A_251] {strides = array<i32>} : memref<2x128xi32, #tpu.memory_space<vmem>>, vector<16xi32>,
    tpu.vector_store %arg9[%swap3A_250, %swap3A_251], %gather3A_244 {strides = array<i32>} : memref<2x128xi32, #tpu.memory_space<vmem>>, vector<16xi32>,
    %dma_start3A = arith.constant 0 : i32
    %dma_start3A_253 = arith.constant 0 : i32
    %dma_start3A_254 = arith.constant 0 : i32
    %dma_start3A_255 = tpu.memref_slice %arg10[%dma_start3A_253, %dma_start3A_254] : memref<256x128xf32, #tpu.memory_space<vmem>> -> memref<128x128xf32, #tpu.memory_space<vmem>>
    %dma_start3A_256 = arith.constant 0 : i32
    %dma_start3A_257 = tpu.memref_slice %arg8[%dma_start3A, %dma_start3A_256] : memref<2x128xi32, #tpu.memory_space<vmem>> -> memref<1x128xi32, #tpu.memory_space<vmem>>
    %dma_start3A_258 = tpu.memref_squeeze %dma_start3A_257 : memref<1x128xi32, #tpu.memory_space<vmem>> -> memref<128xi32, #tpu.memory_space<vmem>>
    %dma_start3A_259 = arith.constant 0 : i32
    %dma_start3A_260 = arith.constant 0 : i32
    %dma_start3A_261 = tpu.memref_slice %arg3[%dma_start3A_259, %dma_start3A_260] : memref<100000x128xf32, #tpu.memory_space<hbm>> -> memref<100000x128xf32, #tpu.memory_space<hbm>>
    tpu.enqueue_indirect_dma source(%dma_start3A_261 : memref<100000x128xf32, #tpu.memory_space<hbm>>) target(%dma_start3A_255 : memref<128x128xf32, #tpu.memory_space<vmem>>) offsets(%dma_start3A_258 : memref<128xi32, #tpu.memory_space<vmem>>) semaphore(%arg12 : memref<!tpu.dma_semaphore, #tpu.memory_space<semaphore_mem>>)
    %dma_start3A_262 = arith.constant 0 : i32
    %dma_start3A_263 = arith.constant 0 : i32
    %dma_start3A_264 = arith.constant 0 : i32
    %dma_start3A_265 = tpu.memref_slice %arg11[%dma_start3A_263, %dma_start3A_264] : memref<256x128xf32, #tpu.memory_space<vmem>> -> memref<128x128xf32, #tpu.memory_space<vmem>>
    %dma_start3A_266 = arith.constant 0 : i32
    %dma_start3A_267 = tpu.memref_slice %arg9[%dma_start3A_262, %dma_start3A_266] : memref<2x128xi32, #tpu.memory_space<vmem>> -> memref<1x128xi32, #tpu.memory_space<vmem>>
    %dma_start3A_268 = tpu.memref_squeeze %dma_start3A_267 : memref<1x128xi32, #tpu.memory_space<vmem>> -> memref<128xi32, #tpu.memory_space<vmem>>
    %dma_start3A_269 = arith.constant 0 : i32
    %dma_start3A_270 = arith.constant 0 : i32
    %dma_start3A_271 = tpu.memref_slice %arg4[%dma_start3A_269, %dma_start3A_270] : memref<2048x128xf32, #tpu.memory_space<hbm>> -> memref<2048x128xf32, #tpu.memory_space<hbm>>
    tpu.enqueue_indirect_dma source(%dma_start3A_271 : memref<2048x128xf32, #tpu.memory_space<hbm>>) target(%dma_start3A_265 : memref<128x128xf32, #tpu.memory_space<vmem>>) offsets(%dma_start3A_268 : memref<128xi32, #tpu.memory_space<vmem>>) semaphore(%arg12 : memref<!tpu.dma_semaphore, #tpu.memory_space<semaphore_mem>>)
    %dma_start3A_272 = arith.constant 1 : i32
    %dma_start3A_273 = arith.constant 128 : i32
    %dma_start3A_274 = arith.constant 0 : i32
    %dma_start3A_275 = tpu.memref_slice %arg10[%dma_start3A_273, %dma_start3A_274] : memref<256x128xf32, #tpu.memory_space<vmem>> -> memref<128x128xf32, #tpu.memory_space<vmem>>
    %dma_start3A_276 = arith.constant 0 : i32
    %dma_start3A_277 = tpu.memref_slice %arg8[%dma_start3A_272, %dma_start3A_276] : memref<2x128xi32, #tpu.memory_space<vmem>> -> memref<1x128xi32, #tpu.memory_space<vmem>>
    %dma_start3A_278 = tpu.memref_squeeze %dma_start3A_277 : memref<1x128xi32, #tpu.memory_space<vmem>> -> memref<128xi32, #tpu.memory_space<vmem>>
    %dma_start3A_279 = arith.constant 0 : i32
    %dma_start3A_280 = arith.constant 0 : i32
    %dma_start3A_281 = tpu.memref_slice %arg3[%dma_start3A_279, %dma_start3A_280] : memref<100000x128xf32, #tpu.memory_space<hbm>> -> memref<100000x128xf32, #tpu.memory_space<hbm>>
    tpu.enqueue_indirect_dma source(%dma_start3A_281 : memref<100000x128xf32, #tpu.memory_space<hbm>>) target(%dma_start3A_275 : memref<128x128xf32, #tpu.memory_space<vmem>>) offsets(%dma_start3A_278 : memref<128xi32, #tpu.memory_space<vmem>>) semaphore(%arg13 : memref<!tpu.dma_semaphore, #tpu.memory_space<semaphore_mem>>)
    %dma_start3A_282 = arith.constant 1 : i32
    %dma_start3A_283 = arith.constant 128 : i32
    %dma_start3A_284 = arith.constant 0 : i32
    %dma_start3A_285 = tpu.memref_slice %arg11[%dma_start3A_283, %dma_start3A_284] : memref<256x128xf32, #tpu.memory_space<vmem>> -> memref<128x128xf32, #tpu.memory_space<vmem>>
    %dma_start3A_286 = arith.constant 0 : i32
    %dma_start3A_287 = tpu.memref_slice %arg9[%dma_start3A_282, %dma_start3A_286] : memref<2x128xi32, #tpu.memory_space<vmem>> -> memref<1x128xi32, #tpu.memory_space<vmem>>
    %dma_start3A_288 = tpu.memref_squeeze %dma_start3A_287 : memref<1x128xi32, #tpu.memory_space<vmem>> -> memref<128xi32, #tpu.memory_space<vmem>>
    %dma_start3A_289 = arith.constant 0 : i32
    %dma_start3A_290 = arith.constant 0 : i32
    %dma_start3A_291 = tpu.memref_slice %arg4[%dma_start3A_289, %dma_start3A_290] : memref<2048x128xf32, #tpu.memory_space<hbm>> -> memref<2048x128xf32, #tpu.memory_space<hbm>>
    tpu.enqueue_indirect_dma source(%dma_start3A_291 : memref<2048x128xf32, #tpu.memory_space<hbm>>) target(%dma_start3A_285 : memref<128x128xf32, #tpu.memory_space<vmem>>) offsets(%dma_start3A_288 : memref<128xi32, #tpu.memory_space<vmem>>) semaphore(%arg13 : memref<!tpu.dma_semaphore, #tpu.memory_space<semaphore_mem>>)
    %dma_wait3A = arith.constant 0 : i32
    %dma_wait3A_292 = arith.constant 0 : i32
    %dma_wait3A_293 = arith.constant 0 : i32
    %dma_wait3A_294 = tpu.memref_slice %arg10[%dma_wait3A_292, %dma_wait3A_293] : memref<256x128xf32, #tpu.memory_space<vmem>> -> memref<128x128xf32, #tpu.memory_space<vmem>>
    %dma_wait3A_295 = arith.constant 0 : i32
    %dma_wait3A_296 = tpu.memref_slice %arg8[%dma_wait3A, %dma_wait3A_295] : memref<2x128xi32, #tpu.memory_space<vmem>> -> memref<1x128xi32, #tpu.memory_space<vmem>>
    %dma_wait3A_297 = tpu.memref_squeeze %dma_wait3A_296 : memref<1x128xi32, #tpu.memory_space<vmem>> -> memref<128xi32, #tpu.memory_space<vmem>>
    %dma_wait3A_298 = arith.constant 0 : i32
    %dma_wait3A_299 = arith.constant 0 : i32
    %dma_wait3A_300 = tpu.memref_slice %arg3[%dma_wait3A_298, %dma_wait3A_299] : memref<100000x128xf32, #tpu.memory_space<hbm>> -> memref<100000x128xf32, #tpu.memory_space<hbm>>
    tpu.wait_indirect_dma semaphore(%arg12 : memref<!tpu.dma_semaphore, #tpu.memory_space<semaphore_mem>>) src(%dma_wait3A_300 : memref<100000x128xf32, #tpu.memory_space<hbm>>) dst(%dma_wait3A_294 : memref<128x128xf32, #tpu.memory_space<vmem>>)
    %dma_wait3A_301 = arith.constant 0 : i32
    %dma_wait3A_302 = arith.constant 0 : i32
    %dma_wait3A_303 = arith.constant 0 : i32
    %dma_wait3A_304 = tpu.memref_slice %arg11[%dma_wait3A_302, %dma_wait3A_303] : memref<256x128xf32, #tpu.memory_space<vmem>> -> memref<128x128xf32, #tpu.memory_space<vmem>>
    %dma_wait3A_305 = arith.constant 0 : i32
    %dma_wait3A_306 = tpu.memref_slice %arg9[%dma_wait3A_301, %dma_wait3A_305] : memref<2x128xi32, #tpu.memory_space<vmem>> -> memref<1x128xi32, #tpu.memory_space<vmem>>
    %dma_wait3A_307 = tpu.memref_squeeze %dma_wait3A_306 : memref<1x128xi32, #tpu.memory_space<vmem>> -> memref<128xi32, #tpu.memory_space<vmem>>
    %dma_wait3A_308 = arith.constant 0 : i32
    %dma_wait3A_309 = arith.constant 0 : i32
    %dma_wait3A_310 = tpu.memref_slice %arg4[%dma_wait3A_308, %dma_wait3A_309] : memref<2048x128xf32, #tpu.memory_space<hbm>> -> memref<2048x128xf32, #tpu.memory_space<hbm>>
    tpu.wait_indirect_dma semaphore(%arg12 : memref<!tpu.dma_semaphore, #tpu.memory_space<semaphore_mem>>) src(%dma_wait3A_310 : memref<2048x128xf32, #tpu.memory_space<hbm>>) dst(%dma_wait3A_304 : memref<128x128xf32, #tpu.memory_space<vmem>>)
    %parallel_loop3A = arith.constant 0 : i32
    %parallel_loop3A_311 = arith.constant 128 : i32
    %parallel_loop3A_312 = arith.constant 1 : i32
    scf.for %parallel_loop3A_384 = %parallel_loop3A to %parallel_loop3A_311 step %parallel_loop3A_312  : i32 {
      %parallel_loop3A_385 = arith.index_cast %parallel_loop3A_384 : i32 to index
      %parallel_loop3A_386 = arith.constant 0 : index
      %parallel_loop3A_387 = tpu.vector_load %arg10[%parallel_loop3A_385, %parallel_loop3A_386] {strides = array<i32>} : memref<256x128xf32, #tpu.memory_space<vmem>>, vector<16xf32>,
      %parallel_loop3A_388 = arith.constant 11.3137083 : f32
      %parallel_loop3A_389 = vector.broadcast %parallel_loop3A_388 : f32 to vector<16xf32>
      %parallel_loop3A_390 = arith.mulf %parallel_loop3A_387, %parallel_loop3A_389 : vector<16xf32>
      %parallel_loop3A_391 = arith.index_cast %parallel_loop3A_384 : i32 to index
      %parallel_loop3A_392 = arith.constant 0 : index
      %parallel_loop3A_393 = tpu.vector_load %arg11[%parallel_loop3A_391, %parallel_loop3A_392] {strides = array<i32>} : memref<256x128xf32, #tpu.memory_space<vmem>>, vector<16xf32>,
      %parallel_loop3A_394 = arith.addf %parallel_loop3A_390, %parallel_loop3A_393 : vector<16xf32>
      %parallel_loop3A_395 = arith.index_cast %parallel_loop3A_384 : i32 to index
      %parallel_loop3A_396 = arith.constant 0 : index
      %parallel_loop3A_397 = tpu.vector_load %arg10[%parallel_loop3A_395, %parallel_loop3A_396] {strides = array<i32>} : memref<256x128xf32, #tpu.memory_space<vmem>>, vector<16xf32>,
      tpu.vector_store %arg10[%parallel_loop3A_395, %parallel_loop3A_396], %parallel_loop3A_394 {strides = array<i32>} : memref<256x128xf32, #tpu.memory_space<vmem>>, vector<16xf32>,
      %parallel_loop3A_398 = arith.index_cast %parallel_loop3A_384 : i32 to index
      %parallel_loop3A_399 = arith.constant 16 : index
      %parallel_loop3A_400 = tpu.vector_load %arg10[%parallel_loop3A_398, %parallel_loop3A_399] {strides = array<i32>} : memref<256x128xf32, #tpu.memory_space<vmem>>, vector<16xf32>,
      %parallel_loop3A_401 = arith.constant 11.3137083 : f32
      %parallel_loop3A_402 = vector.broadcast %parallel_loop3A_401 : f32 to vector<16xf32>
      %parallel_loop3A_403 = arith.mulf %parallel_loop3A_400, %parallel_loop3A_402 : vector<16xf32>
      %parallel_loop3A_404 = arith.index_cast %parallel_loop3A_384 : i32 to index
      %parallel_loop3A_405 = arith.constant 16 : index
      %parallel_loop3A_406 = tpu.vector_load %arg11[%parallel_loop3A_404, %parallel_loop3A_405] {strides = array<i32>} : memref<256x128xf32, #tpu.memory_space<vmem>>, vector<16xf32>,
      %parallel_loop3A_407 = arith.addf %parallel_loop3A_403, %parallel_loop3A_406 : vector<16xf32>
      %parallel_loop3A_408 = arith.index_cast %parallel_loop3A_384 : i32 to index
      %parallel_loop3A_409 = arith.constant 16 : index
      %parallel_loop3A_410 = tpu.vector_load %arg10[%parallel_loop3A_408, %parallel_loop3A_409] {strides = array<i32>} : memref<256x128xf32, #tpu.memory_space<vmem>>, vector<16xf32>,
      tpu.vector_store %arg10[%parallel_loop3A_408, %parallel_loop3A_409], %parallel_loop3A_407 {strides = array<i32>} : memref<256x128xf32, #tpu.memory_space<vmem>>, vector<16xf32>,
      %parallel_loop3A_411 = arith.index_cast %parallel_loop3A_384 : i32 to index
      %parallel_loop3A_412 = arith.constant 32 : index
      %parallel_loop3A_413 = tpu.vector_load %arg10[%parallel_loop3A_411, %parallel_loop3A_412] {strides = array<i32>} : memref<256x128xf32, #tpu.memory_space<vmem>>, vector<16xf32>,
      %parallel_loop3A_414 = arith.constant 11.3137083 : f32
      %parallel_loop3A_415 = vector.broadcast %parallel_loop3A_414 : f32 to vector<16xf32>
      %parallel_loop3A_416 = arith.mulf %parallel_loop3A_413, %parallel_loop3A_415 : vector<16xf32>
      %parallel_loop3A_417 = arith.index_cast %parallel_loop3A_384 : i32 to index
      %parallel_loop3A_418 = arith.constant 32 : index
      %parallel_loop3A_419 = tpu.vector_load %arg11[%parallel_loop3A_417, %parallel_loop3A_418] {strides = array<i32>} : memref<256x128xf32, #tpu.memory_space<vmem>>, vector<16xf32>,
      %parallel_loop3A_420 = arith.addf %parallel_loop3A_416, %parallel_loop3A_419 : vector<16xf32>
      %parallel_loop3A_421 = arith.index_cast %parallel_loop3A_384 : i32 to index
      %parallel_loop3A_422 = arith.constant 32 : index
      %parallel_loop3A_423 = tpu.vector_load %arg10[%parallel_loop3A_421, %parallel_loop3A_422] {strides = array<i32>} : memref<256x128xf32, #tpu.memory_space<vmem>>, vector<16xf32>,
      tpu.vector_store %arg10[%parallel_loop3A_421, %parallel_loop3A_422], %parallel_loop3A_420 {strides = array<i32>} : memref<256x128xf32, #tpu.memory_space<vmem>>, vector<16xf32>,
      %parallel_loop3A_424 = arith.index_cast %parallel_loop3A_384 : i32 to index
      %parallel_loop3A_425 = arith.constant 48 : index
      %parallel_loop3A_426 = tpu.vector_load %arg10[%parallel_loop3A_424, %parallel_loop3A_425] {strides = array<i32>} : memref<256x128xf32, #tpu.memory_space<vmem>>, vector<16xf32>,
      %parallel_loop3A_427 = arith.constant 11.3137083 : f32
      %parallel_loop3A_428 = vector.broadcast %parallel_loop3A_427 : f32 to vector<16xf32>
      %parallel_loop3A_429 = arith.mulf %parallel_loop3A_426, %parallel_loop3A_428 : vector<16xf32>
      %parallel_loop3A_430 = arith.index_cast %parallel_loop3A_384 : i32 to index
      %parallel_loop3A_431 = arith.constant 48 : index
      %parallel_loop3A_432 = tpu.vector_load %arg11[%parallel_loop3A_430, %parallel_loop3A_431] {strides = array<i32>} : memref<256x128xf32, #tpu.memory_space<vmem>>, vector<16xf32>,
      %parallel_loop3A_433 = arith.addf %parallel_loop3A_429, %parallel_loop3A_432 : vector<16xf32>
      %parallel_loop3A_434 = arith.index_cast %parallel_loop3A_384 : i32 to index
      %parallel_loop3A_435 = arith.constant 48 : index
      %parallel_loop3A_436 = tpu.vector_load %arg10[%parallel_loop3A_434, %parallel_loop3A_435] {strides = array<i32>} : memref<256x128xf32, #tpu.memory_space<vmem>>, vector<16xf32>,
      tpu.vector_store %arg10[%parallel_loop3A_434, %parallel_loop3A_435], %parallel_loop3A_433 {strides = array<i32>} : memref<256x128xf32, #tpu.memory_space<vmem>>, vector<16xf32>,
      %parallel_loop3A_437 = arith.index_cast %parallel_loop3A_384 : i32 to index
      %parallel_loop3A_438 = arith.constant 64 : index
      %parallel_loop3A_439 = tpu.vector_load %arg10[%parallel_loop3A_437, %parallel_loop3A_438] {strides = array<i32>} : memref<256x128xf32, #tpu.memory_space<vmem>>, vector<16xf32>,
      %parallel_loop3A_440 = arith.constant 11.3137083 : f32
      %parallel_loop3A_441 = vector.broadcast %parallel_loop3A_440 : f32 to vector<16xf32>
      %parallel_loop3A_442 = arith.mulf %parallel_loop3A_439, %parallel_loop3A_441 : vector<16xf32>
      %parallel_loop3A_443 = arith.index_cast %parallel_loop3A_384 : i32 to index
      %parallel_loop3A_444 = arith.constant 64 : index
      %parallel_loop3A_445 = tpu.vector_load %arg11[%parallel_loop3A_443, %parallel_loop3A_444] {strides = array<i32>} : memref<256x128xf32, #tpu.memory_space<vmem>>, vector<16xf32>,
      %parallel_loop3A_446 = arith.addf %parallel_loop3A_442, %parallel_loop3A_445 : vector<16xf32>
      %parallel_loop3A_447 = arith.index_cast %parallel_loop3A_384 : i32 to index
      %parallel_loop3A_448 = arith.constant 64 : index
      %parallel_loop3A_449 = tpu.vector_load %arg10[%parallel_loop3A_447, %parallel_loop3A_448] {strides = array<i32>} : memref<256x128xf32, #tpu.memory_space<vmem>>, vector<16xf32>,
      tpu.vector_store %arg10[%parallel_loop3A_447, %parallel_loop3A_448], %parallel_loop3A_446 {strides = array<i32>} : memref<256x128xf32, #tpu.memory_space<vmem>>, vector<16xf32>,
      %parallel_loop3A_450 = arith.index_cast %parallel_loop3A_384 : i32 to index
      %parallel_loop3A_451 = arith.constant 80 : index
      %parallel_loop3A_452 = tpu.vector_load %arg10[%parallel_loop3A_450, %parallel_loop3A_451] {strides = array<i32>} : memref<256x128xf32, #tpu.memory_space<vmem>>, vector<16xf32>,
      %parallel_loop3A_453 = arith.constant 11.3137083 : f32
      %parallel_loop3A_454 = vector.broadcast %parallel_loop3A_453 : f32 to vector<16xf32>
      %parallel_loop3A_455 = arith.mulf %parallel_loop3A_452, %parallel_loop3A_454 : vector<16xf32>
      %parallel_loop3A_456 = arith.index_cast %parallel_loop3A_384 : i32 to index
      %parallel_loop3A_457 = arith.constant 80 : index
      %parallel_loop3A_458 = tpu.vector_load %arg11[%parallel_loop3A_456, %parallel_loop3A_457] {strides = array<i32>} : memref<256x128xf32, #tpu.memory_space<vmem>>, vector<16xf32>,
      %parallel_loop3A_459 = arith.addf %parallel_loop3A_455, %parallel_loop3A_458 : vector<16xf32>
      %parallel_loop3A_460 = arith.index_cast %parallel_loop3A_384 : i32 to index
      %parallel_loop3A_461 = arith.constant 80 : index
      %parallel_loop3A_462 = tpu.vector_load %arg10[%parallel_loop3A_460, %parallel_loop3A_461] {strides = array<i32>} : memref<256x128xf32, #tpu.memory_space<vmem>>, vector<16xf32>,
      tpu.vector_store %arg10[%parallel_loop3A_460, %parallel_loop3A_461], %parallel_loop3A_459 {strides = array<i32>} : memref<256x128xf32, #tpu.memory_space<vmem>>, vector<16xf32>,
      %parallel_loop3A_463 = arith.index_cast %parallel_loop3A_384 : i32 to index
      %parallel_loop3A_464 = arith.constant 96 : index
      %parallel_loop3A_465 = tpu.vector_load %arg10[%parallel_loop3A_463, %parallel_loop3A_464] {strides = array<i32>} : memref<256x128xf32, #tpu.memory_space<vmem>>, vector<16xf32>,
      %parallel_loop3A_466 = arith.constant 11.3137083 : f32
      %parallel_loop3A_467 = vector.broadcast %parallel_loop3A_466 : f32 to vector<16xf32>
      %parallel_loop3A_468 = arith.mulf %parallel_loop3A_465, %parallel_loop3A_467 : vector<16xf32>
      %parallel_loop3A_469 = arith.index_cast %parallel_loop3A_384 : i32 to index
      %parallel_loop3A_470 = arith.constant 96 : index
      %parallel_loop3A_471 = tpu.vector_load %arg11[%parallel_loop3A_469, %parallel_loop3A_470] {strides = array<i32>} : memref<256x128xf32, #tpu.memory_space<vmem>>, vector<16xf32>,
      %parallel_loop3A_472 = arith.addf %parallel_loop3A_468, %parallel_loop3A_471 : vector<16xf32>
      %parallel_loop3A_473 = arith.index_cast %parallel_loop3A_384 : i32 to index
      %parallel_loop3A_474 = arith.constant 96 : index
      %parallel_loop3A_475 = tpu.vector_load %arg10[%parallel_loop3A_473, %parallel_loop3A_474] {strides = array<i32>} : memref<256x128xf32, #tpu.memory_space<vmem>>, vector<16xf32>,
      tpu.vector_store %arg10[%parallel_loop3A_473, %parallel_loop3A_474], %parallel_loop3A_472 {strides = array<i32>} : memref<256x128xf32, #tpu.memory_space<vmem>>, vector<16xf32>,
      %parallel_loop3A_476 = arith.index_cast %parallel_loop3A_384 : i32 to index
      %parallel_loop3A_477 = arith.constant 112 : index
      %parallel_loop3A_478 = tpu.vector_load %arg10[%parallel_loop3A_476, %parallel_loop3A_477] {strides = array<i32>} : memref<256x128xf32, #tpu.memory_space<vmem>>, vector<16xf32>,
      %parallel_loop3A_479 = arith.constant 11.3137083 : f32
      %parallel_loop3A_480 = vector.broadcast %parallel_loop3A_479 : f32 to vector<16xf32>
      %parallel_loop3A_481 = arith.mulf %parallel_loop3A_478, %parallel_loop3A_480 : vector<16xf32>
      %parallel_loop3A_482 = arith.index_cast %parallel_loop3A_384 : i32 to index
      %parallel_loop3A_483 = arith.constant 112 : index
      %parallel_loop3A_484 = tpu.vector_load %arg11[%parallel_loop3A_482, %parallel_loop3A_483] {strides = array<i32>} : memref<256x128xf32, #tpu.memory_space<vmem>>, vector<16xf32>,
      %parallel_loop3A_485 = arith.addf %parallel_loop3A_481, %parallel_loop3A_484 : vector<16xf32>
      %parallel_loop3A_486 = arith.index_cast %parallel_loop3A_384 : i32 to index
      %parallel_loop3A_487 = arith.constant 112 : index
      %parallel_loop3A_488 = tpu.vector_load %arg10[%parallel_loop3A_486, %parallel_loop3A_487] {strides = array<i32>} : memref<256x128xf32, #tpu.memory_space<vmem>>, vector<16xf32>,
      tpu.vector_store %arg10[%parallel_loop3A_486, %parallel_loop3A_487], %parallel_loop3A_485 {strides = array<i32>} : memref<256x128xf32, #tpu.memory_space<vmem>>, vector<16xf32>,
    } {sc.loop_unroll_factor = 8 : i64, sc.parallel_access}
    %mul3A_313 = arith.constant 256 : i32
    %mul3A_314 = arith.muli %add3A, %mul3A_313 : i32
    %add3A_315 = arith.constant 0 : i32
    %add3A_316 = arith.addi %mul3A_314, %add3A_315 : i32
    %dma_start3A_317 = arith.constant 0 : i32
    %dma_start3A_318 = arith.constant 0 : i32
    %dma_start3A_319 = tpu.memref_slice %arg10[%dma_start3A_317, %dma_start3A_318] : memref<256x128xf32, #tpu.memory_space<vmem>> -> memref<128x128xf32, #tpu.memory_space<vmem>>
    %dma_start3A_320 = arith.constant 0 : i32
    %dma_start3A_321 = tpu.memref_slice %arg5[%add3A_316, %dma_start3A_320] : memref<8192x128xf32, #tpu.memory_space<hbm>> -> memref<128x128xf32, #tpu.memory_space<hbm>>
    %dma_start3A_322 = arith.constant 0 : i32
    %dma_start3A_323 = tpu.memref_slice %arg5[%add3A_316, %dma_start3A_322] : memref<8192x128xf32, #tpu.memory_space<hbm>> -> memref<128x128xf32, #tpu.memory_space<hbm>>
    %dma_start3A_324 = arith.constant 0 : i32
    %dma_start3A_325 = arith.constant 0 : i32
    %dma_start3A_326 = tpu.memref_slice %arg10[%dma_start3A_324, %dma_start3A_325] : memref<256x128xf32, #tpu.memory_space<vmem>> -> memref<128x128xf32, #tpu.memory_space<vmem>>
    tpu.enqueue_dma source(%dma_start3A_326 : memref<128x128xf32, #tpu.memory_space<vmem>>) target(%dma_start3A_323 : memref<128x128xf32, #tpu.memory_space<hbm>>) target_semaphore(%arg14 : memref<!tpu.dma_semaphore, #tpu.memory_space<semaphore_mem>>)
    %dma_wait3A_327 = arith.constant 1 : i32
    %dma_wait3A_328 = arith.constant 128 : i32
    %dma_wait3A_329 = arith.constant 0 : i32
    %dma_wait3A_330 = tpu.memref_slice %arg10[%dma_wait3A_328, %dma_wait3A_329] : memref<256x128xf32, #tpu.memory_space<vmem>> -> memref<128x128xf32, #tpu.memory_space<vmem>>
    %dma_wait3A_331 = arith.constant 0 : i32
    %dma_wait3A_332 = tpu.memref_slice %arg8[%dma_wait3A_327, %dma_wait3A_331] : memref<2x128xi32, #tpu.memory_space<vmem>> -> memref<1x128xi32, #tpu.memory_space<vmem>>
    %dma_wait3A_333 = tpu.memref_squeeze %dma_wait3A_332 : memref<1x128xi32, #tpu.memory_space<vmem>> -> memref<128xi32, #tpu.memory_space<vmem>>
    %dma_wait3A_334 = arith.constant 0 : i32
    %dma_wait3A_335 = arith.constant 0 : i32
    %dma_wait3A_336 = tpu.memref_slice %arg3[%dma_wait3A_334, %dma_wait3A_335] : memref<100000x128xf32, #tpu.memory_space<hbm>> -> memref<100000x128xf32, #tpu.memory_space<hbm>>
    tpu.wait_indirect_dma semaphore(%arg13 : memref<!tpu.dma_semaphore, #tpu.memory_space<semaphore_mem>>) src(%dma_wait3A_336 : memref<100000x128xf32, #tpu.memory_space<hbm>>) dst(%dma_wait3A_330 : memref<128x128xf32, #tpu.memory_space<vmem>>)
    %dma_wait3A_337 = arith.constant 1 : i32
    %dma_wait3A_338 = arith.constant 128 : i32
    %dma_wait3A_339 = arith.constant 0 : i32
    %dma_wait3A_340 = tpu.memref_slice %arg11[%dma_wait3A_338, %dma_wait3A_339] : memref<256x128xf32, #tpu.memory_space<vmem>> -> memref<128x128xf32, #tpu.memory_space<vmem>>
    %dma_wait3A_341 = arith.constant 0 : i32
    %dma_wait3A_342 = tpu.memref_slice %arg9[%dma_wait3A_337, %dma_wait3A_341] : memref<2x128xi32, #tpu.memory_space<vmem>> -> memref<1x128xi32, #tpu.memory_space<vmem>>
    %dma_wait3A_343 = tpu.memref_squeeze %dma_wait3A_342 : memref<1x128xi32, #tpu.memory_space<vmem>> -> memref<128xi32, #tpu.memory_space<vmem>>
    %dma_wait3A_344 = arith.constant 0 : i32
    %dma_wait3A_345 = arith.constant 0 : i32
    %dma_wait3A_346 = tpu.memref_slice %arg4[%dma_wait3A_344, %dma_wait3A_345] : memref<2048x128xf32, #tpu.memory_space<hbm>> -> memref<2048x128xf32, #tpu.memory_space<hbm>>
    tpu.wait_indirect_dma semaphore(%arg13 : memref<!tpu.dma_semaphore, #tpu.memory_space<semaphore_mem>>) src(%dma_wait3A_346 : memref<2048x128xf32, #tpu.memory_space<hbm>>) dst(%dma_wait3A_340 : memref<128x128xf32, #tpu.memory_space<vmem>>)
    %parallel_loop3A_347 = arith.constant 128 : i32
    %parallel_loop3A_348 = arith.constant 256 : i32
    %parallel_loop3A_349 = arith.constant 1 : i32
    scf.for %parallel_loop3A_384 = %parallel_loop3A_347 to %parallel_loop3A_348 step %parallel_loop3A_349  : i32 {
      %parallel_loop3A_385 = arith.index_cast %parallel_loop3A_384 : i32 to index
      %parallel_loop3A_386 = arith.constant 0 : index
      %parallel_loop3A_387 = tpu.vector_load %arg10[%parallel_loop3A_385, %parallel_loop3A_386] {strides = array<i32>} : memref<256x128xf32, #tpu.memory_space<vmem>>, vector<16xf32>,
      %parallel_loop3A_388 = arith.constant 11.3137083 : f32
      %parallel_loop3A_389 = vector.broadcast %parallel_loop3A_388 : f32 to vector<16xf32>
      %parallel_loop3A_390 = arith.mulf %parallel_loop3A_387, %parallel_loop3A_389 : vector<16xf32>
      %parallel_loop3A_391 = arith.index_cast %parallel_loop3A_384 : i32 to index
      %parallel_loop3A_392 = arith.constant 0 : index
      %parallel_loop3A_393 = tpu.vector_load %arg11[%parallel_loop3A_391, %parallel_loop3A_392] {strides = array<i32>} : memref<256x128xf32, #tpu.memory_space<vmem>>, vector<16xf32>,
      %parallel_loop3A_394 = arith.addf %parallel_loop3A_390, %parallel_loop3A_393 : vector<16xf32>
      %parallel_loop3A_395 = arith.index_cast %parallel_loop3A_384 : i32 to index
      %parallel_loop3A_396 = arith.constant 0 : index
      %parallel_loop3A_397 = tpu.vector_load %arg10[%parallel_loop3A_395, %parallel_loop3A_396] {strides = array<i32>} : memref<256x128xf32, #tpu.memory_space<vmem>>, vector<16xf32>,
      tpu.vector_store %arg10[%parallel_loop3A_395, %parallel_loop3A_396], %parallel_loop3A_394 {strides = array<i32>} : memref<256x128xf32, #tpu.memory_space<vmem>>, vector<16xf32>,
      %parallel_loop3A_398 = arith.index_cast %parallel_loop3A_384 : i32 to index
      %parallel_loop3A_399 = arith.constant 16 : index
      %parallel_loop3A_400 = tpu.vector_load %arg10[%parallel_loop3A_398, %parallel_loop3A_399] {strides = array<i32>} : memref<256x128xf32, #tpu.memory_space<vmem>>, vector<16xf32>,
      %parallel_loop3A_401 = arith.constant 11.3137083 : f32
      %parallel_loop3A_402 = vector.broadcast %parallel_loop3A_401 : f32 to vector<16xf32>
      %parallel_loop3A_403 = arith.mulf %parallel_loop3A_400, %parallel_loop3A_402 : vector<16xf32>
      %parallel_loop3A_404 = arith.index_cast %parallel_loop3A_384 : i32 to index
      %parallel_loop3A_405 = arith.constant 16 : index
      %parallel_loop3A_406 = tpu.vector_load %arg11[%parallel_loop3A_404, %parallel_loop3A_405] {strides = array<i32>} : memref<256x128xf32, #tpu.memory_space<vmem>>, vector<16xf32>,
      %parallel_loop3A_407 = arith.addf %parallel_loop3A_403, %parallel_loop3A_406 : vector<16xf32>
      %parallel_loop3A_408 = arith.index_cast %parallel_loop3A_384 : i32 to index
      %parallel_loop3A_409 = arith.constant 16 : index
      %parallel_loop3A_410 = tpu.vector_load %arg10[%parallel_loop3A_408, %parallel_loop3A_409] {strides = array<i32>} : memref<256x128xf32, #tpu.memory_space<vmem>>, vector<16xf32>,
      tpu.vector_store %arg10[%parallel_loop3A_408, %parallel_loop3A_409], %parallel_loop3A_407 {strides = array<i32>} : memref<256x128xf32, #tpu.memory_space<vmem>>, vector<16xf32>,
      %parallel_loop3A_411 = arith.index_cast %parallel_loop3A_384 : i32 to index
      %parallel_loop3A_412 = arith.constant 32 : index
      %parallel_loop3A_413 = tpu.vector_load %arg10[%parallel_loop3A_411, %parallel_loop3A_412] {strides = array<i32>} : memref<256x128xf32, #tpu.memory_space<vmem>>, vector<16xf32>,
      %parallel_loop3A_414 = arith.constant 11.3137083 : f32
      %parallel_loop3A_415 = vector.broadcast %parallel_loop3A_414 : f32 to vector<16xf32>
      %parallel_loop3A_416 = arith.mulf %parallel_loop3A_413, %parallel_loop3A_415 : vector<16xf32>
      %parallel_loop3A_417 = arith.index_cast %parallel_loop3A_384 : i32 to index
      %parallel_loop3A_418 = arith.constant 32 : index
      %parallel_loop3A_419 = tpu.vector_load %arg11[%parallel_loop3A_417, %parallel_loop3A_418] {strides = array<i32>} : memref<256x128xf32, #tpu.memory_space<vmem>>, vector<16xf32>,
      %parallel_loop3A_420 = arith.addf %parallel_loop3A_416, %parallel_loop3A_419 : vector<16xf32>
      %parallel_loop3A_421 = arith.index_cast %parallel_loop3A_384 : i32 to index
      %parallel_loop3A_422 = arith.constant 32 : index
      %parallel_loop3A_423 = tpu.vector_load %arg10[%parallel_loop3A_421, %parallel_loop3A_422] {strides = array<i32>} : memref<256x128xf32, #tpu.memory_space<vmem>>, vector<16xf32>,
      tpu.vector_store %arg10[%parallel_loop3A_421, %parallel_loop3A_422], %parallel_loop3A_420 {strides = array<i32>} : memref<256x128xf32, #tpu.memory_space<vmem>>, vector<16xf32>,
      %parallel_loop3A_424 = arith.index_cast %parallel_loop3A_384 : i32 to index
      %parallel_loop3A_425 = arith.constant 48 : index
      %parallel_loop3A_426 = tpu.vector_load %arg10[%parallel_loop3A_424, %parallel_loop3A_425] {strides = array<i32>} : memref<256x128xf32, #tpu.memory_space<vmem>>, vector<16xf32>,
      %parallel_loop3A_427 = arith.constant 11.3137083 : f32
      %parallel_loop3A_428 = vector.broadcast %parallel_loop3A_427 : f32 to vector<16xf32>
      %parallel_loop3A_429 = arith.mulf %parallel_loop3A_426, %parallel_loop3A_428 : vector<16xf32>
      %parallel_loop3A_430 = arith.index_cast %parallel_loop3A_384 : i32 to index
      %parallel_loop3A_431 = arith.constant 48 : index
      %parallel_loop3A_432 = tpu.vector_load %arg11[%parallel_loop3A_430, %parallel_loop3A_431] {strides = array<i32>} : memref<256x128xf32, #tpu.memory_space<vmem>>, vector<16xf32>,
      %parallel_loop3A_433 = arith.addf %parallel_loop3A_429, %parallel_loop3A_432 : vector<16xf32>
      %parallel_loop3A_434 = arith.index_cast %parallel_loop3A_384 : i32 to index
      %parallel_loop3A_435 = arith.constant 48 : index
      %parallel_loop3A_436 = tpu.vector_load %arg10[%parallel_loop3A_434, %parallel_loop3A_435] {strides = array<i32>} : memref<256x128xf32, #tpu.memory_space<vmem>>, vector<16xf32>,
      tpu.vector_store %arg10[%parallel_loop3A_434, %parallel_loop3A_435], %parallel_loop3A_433 {strides = array<i32>} : memref<256x128xf32, #tpu.memory_space<vmem>>, vector<16xf32>,
      %parallel_loop3A_437 = arith.index_cast %parallel_loop3A_384 : i32 to index
      %parallel_loop3A_438 = arith.constant 64 : index
      %parallel_loop3A_439 = tpu.vector_load %arg10[%parallel_loop3A_437, %parallel_loop3A_438] {strides = array<i32>} : memref<256x128xf32, #tpu.memory_space<vmem>>, vector<16xf32>,
      %parallel_loop3A_440 = arith.constant 11.3137083 : f32
      %parallel_loop3A_441 = vector.broadcast %parallel_loop3A_440 : f32 to vector<16xf32>
      %parallel_loop3A_442 = arith.mulf %parallel_loop3A_439, %parallel_loop3A_441 : vector<16xf32>
      %parallel_loop3A_443 = arith.index_cast %parallel_loop3A_384 : i32 to index
      %parallel_loop3A_444 = arith.constant 64 : index
      %parallel_loop3A_445 = tpu.vector_load %arg11[%parallel_loop3A_443, %parallel_loop3A_444] {strides = array<i32>} : memref<256x128xf32, #tpu.memory_space<vmem>>, vector<16xf32>,
      %parallel_loop3A_446 = arith.addf %parallel_loop3A_442, %parallel_loop3A_445 : vector<16xf32>
      %parallel_loop3A_447 = arith.index_cast %parallel_loop3A_384 : i32 to index
      %parallel_loop3A_448 = arith.constant 64 : index
      %parallel_loop3A_449 = tpu.vector_load %arg10[%parallel_loop3A_447, %parallel_loop3A_448] {strides = array<i32>} : memref<256x128xf32, #tpu.memory_space<vmem>>, vector<16xf32>,
      tpu.vector_store %arg10[%parallel_loop3A_447, %parallel_loop3A_448], %parallel_loop3A_446 {strides = array<i32>} : memref<256x128xf32, #tpu.memory_space<vmem>>, vector<16xf32>,
      %parallel_loop3A_450 = arith.index_cast %parallel_loop3A_384 : i32 to index
      %parallel_loop3A_451 = arith.constant 80 : index
      %parallel_loop3A_452 = tpu.vector_load %arg10[%parallel_loop3A_450, %parallel_loop3A_451] {strides = array<i32>} : memref<256x128xf32, #tpu.memory_space<vmem>>, vector<16xf32>,
      %parallel_loop3A_453 = arith.constant 11.3137083 : f32
      %parallel_loop3A_454 = vector.broadcast %parallel_loop3A_453 : f32 to vector<16xf32>
      %parallel_loop3A_455 = arith.mulf %parallel_loop3A_452, %parallel_loop3A_454 : vector<16xf32>
      %parallel_loop3A_456 = arith.index_cast %parallel_loop3A_384 : i32 to index
      %parallel_loop3A_457 = arith.constant 80 : index
      %parallel_loop3A_458 = tpu.vector_load %arg11[%parallel_loop3A_456, %parallel_loop3A_457] {strides = array<i32>} : memref<256x128xf32, #tpu.memory_space<vmem>>, vector<16xf32>,
      %parallel_loop3A_459 = arith.addf %parallel_loop3A_455, %parallel_loop3A_458 : vector<16xf32>
      %parallel_loop3A_460 = arith.index_cast %parallel_loop3A_384 : i32 to index
      %parallel_loop3A_461 = arith.constant 80 : index
      %parallel_loop3A_462 = tpu.vector_load %arg10[%parallel_loop3A_460, %parallel_loop3A_461] {strides = array<i32>} : memref<256x128xf32, #tpu.memory_space<vmem>>, vector<16xf32>,
      tpu.vector_store %arg10[%parallel_loop3A_460, %parallel_loop3A_461], %parallel_loop3A_459 {strides = array<i32>} : memref<256x128xf32, #tpu.memory_space<vmem>>, vector<16xf32>,
      %parallel_loop3A_463 = arith.index_cast %parallel_loop3A_384 : i32 to index
      %parallel_loop3A_464 = arith.constant 96 : index
      %parallel_loop3A_465 = tpu.vector_load %arg10[%parallel_loop3A_463, %parallel_loop3A_464] {strides = array<i32>} : memref<256x128xf32, #tpu.memory_space<vmem>>, vector<16xf32>,
      %parallel_loop3A_466 = arith.constant 11.3137083 : f32
      %parallel_loop3A_467 = vector.broadcast %parallel_loop3A_466 : f32 to vector<16xf32>
      %parallel_loop3A_468 = arith.mulf %parallel_loop3A_465, %parallel_loop3A_467 : vector<16xf32>
      %parallel_loop3A_469 = arith.index_cast %parallel_loop3A_384 : i32 to index
      %parallel_loop3A_470 = arith.constant 96 : index
      %parallel_loop3A_471 = tpu.vector_load %arg11[%parallel_loop3A_469, %parallel_loop3A_470] {strides = array<i32>} : memref<256x128xf32, #tpu.memory_space<vmem>>, vector<16xf32>,
      %parallel_loop3A_472 = arith.addf %parallel_loop3A_468, %parallel_loop3A_471 : vector<16xf32>
      %parallel_loop3A_473 = arith.index_cast %parallel_loop3A_384 : i32 to index
      %parallel_loop3A_474 = arith.constant 96 : index
      %parallel_loop3A_475 = tpu.vector_load %arg10[%parallel_loop3A_473, %parallel_loop3A_474] {strides = array<i32>} : memref<256x128xf32, #tpu.memory_space<vmem>>, vector<16xf32>,
      tpu.vector_store %arg10[%parallel_loop3A_473, %parallel_loop3A_474], %parallel_loop3A_472 {strides = array<i32>} : memref<256x128xf32, #tpu.memory_space<vmem>>, vector<16xf32>,
      %parallel_loop3A_476 = arith.index_cast %parallel_loop3A_384 : i32 to index
      %parallel_loop3A_477 = arith.constant 112 : index
      %parallel_loop3A_478 = tpu.vector_load %arg10[%parallel_loop3A_476, %parallel_loop3A_477] {strides = array<i32>} : memref<256x128xf32, #tpu.memory_space<vmem>>, vector<16xf32>,
      %parallel_loop3A_479 = arith.constant 11.3137083 : f32
      %parallel_loop3A_480 = vector.broadcast %parallel_loop3A_479 : f32 to vector<16xf32>
      %parallel_loop3A_481 = arith.mulf %parallel_loop3A_478, %parallel_loop3A_480 : vector<16xf32>
      %parallel_loop3A_482 = arith.index_cast %parallel_loop3A_384 : i32 to index
      %parallel_loop3A_483 = arith.constant 112 : index
      %parallel_loop3A_484 = tpu.vector_load %arg11[%parallel_loop3A_482, %parallel_loop3A_483] {strides = array<i32>} : memref<256x128xf32, #tpu.memory_space<vmem>>, vector<16xf32>,
      %parallel_loop3A_485 = arith.addf %parallel_loop3A_481, %parallel_loop3A_484 : vector<16xf32>
      %parallel_loop3A_486 = arith.index_cast %parallel_loop3A_384 : i32 to index
      %parallel_loop3A_487 = arith.constant 112 : index
      %parallel_loop3A_488 = tpu.vector_load %arg10[%parallel_loop3A_486, %parallel_loop3A_487] {strides = array<i32>} : memref<256x128xf32, #tpu.memory_space<vmem>>, vector<16xf32>,
      tpu.vector_store %arg10[%parallel_loop3A_486, %parallel_loop3A_487], %parallel_loop3A_485 {strides = array<i32>} : memref<256x128xf32, #tpu.memory_space<vmem>>, vector<16xf32>,
    } {sc.loop_unroll_factor = 8 : i64, sc.parallel_access}
    %mul3A_350 = arith.constant 256 : i32
    %mul3A_351 = arith.muli %add3A, %mul3A_350 : i32
    %add3A_352 = arith.constant 128 : i32
    %add3A_353 = arith.addi %mul3A_351, %add3A_352 : i32
    %dma_start3A_354 = arith.constant 128 : i32
    %dma_start3A_355 = arith.constant 0 : i32
    %dma_start3A_356 = tpu.memref_slice %arg10[%dma_start3A_354, %dma_start3A_355] : memref<256x128xf32, #tpu.memory_space<vmem>> -> memref<128x128xf32, #tpu.memory_space<vmem>>
    %dma_start3A_357 = arith.constant 0 : i32
    %dma_start3A_358 = tpu.memref_slice %arg5[%add3A_353, %dma_start3A_357] : memref<8192x128xf32, #tpu.memory_space<hbm>> -> memref<128x128xf32, #tpu.memory_space<hbm>>
    %dma_start3A_359 = arith.constant 0 : i32
    %dma_start3A_360 = tpu.memref_slice %arg5[%add3A_353, %dma_start3A_359] : memref<8192x128xf32, #tpu.memory_space<hbm>> -> memref<128x128xf32, #tpu.memory_space<hbm>>
    %dma_start3A_361 = arith.constant 128 : i32
    %dma_start3A_362 = arith.constant 0 : i32
    %dma_start3A_363 = tpu.memref_slice %arg10[%dma_start3A_361, %dma_start3A_362] : memref<256x128xf32, #tpu.memory_space<vmem>> -> memref<128x128xf32, #tpu.memory_space<vmem>>
    tpu.enqueue_dma source(%dma_start3A_363 : memref<128x128xf32, #tpu.memory_space<vmem>>) target(%dma_start3A_360 : memref<128x128xf32, #tpu.memory_space<hbm>>) target_semaphore(%arg14 : memref<!tpu.dma_semaphore, #tpu.memory_space<semaphore_mem>>)
    %dma_wait3A_364 = arith.constant 0 : i32
    %dma_wait3A_365 = arith.constant 0 : i32
    %dma_wait3A_366 = tpu.memref_slice %arg10[%dma_wait3A_364, %dma_wait3A_365] : memref<256x128xf32, #tpu.memory_space<vmem>> -> memref<128x128xf32, #tpu.memory_space<vmem>>
    %dma_wait3A_367 = arith.constant 0 : i32
    %dma_wait3A_368 = tpu.memref_slice %arg5[%add3A_316, %dma_wait3A_367] : memref<8192x128xf32, #tpu.memory_space<hbm>> -> memref<128x128xf32, #tpu.memory_space<hbm>>
    %dma_wait3A_369 = arith.constant 0 : i32
    %dma_wait3A_370 = tpu.memref_slice %arg5[%add3A_316, %dma_wait3A_369] : memref<8192x128xf32, #tpu.memory_space<hbm>> -> memref<128x128xf32, #tpu.memory_space<hbm>>
    %dma_wait3A_371 = arith.constant 0 : i32
    %dma_wait3A_372 = arith.constant 0 : i32
    %dma_wait3A_373 = tpu.memref_slice %arg10[%dma_wait3A_371, %dma_wait3A_372] : memref<256x128xf32, #tpu.memory_space<vmem>> -> memref<128x128xf32, #tpu.memory_space<vmem>>
    tpu.wait_dma2 semaphore(%arg14 : memref<!tpu.dma_semaphore, #tpu.memory_space<semaphore_mem>>) src(%dma_wait3A_373 : memref<128x128xf32, #tpu.memory_space<vmem>>) dst(%dma_wait3A_370 : memref<128x128xf32, #tpu.memory_space<hbm>>)
    %dma_wait3A_374 = arith.constant 128 : i32
    %dma_wait3A_375 = arith.constant 0 : i32
    %dma_wait3A_376 = tpu.memref_slice %arg10[%dma_wait3A_374, %dma_wait3A_375] : memref<256x128xf32, #tpu.memory_space<vmem>> -> memref<128x128xf32, #tpu.memory_space<vmem>>
    %dma_wait3A_377 = arith.constant 0 : i32
    %dma_wait3A_378 = tpu.memref_slice %arg5[%add3A_353, %dma_wait3A_377] : memref<8192x128xf32, #tpu.memory_space<hbm>> -> memref<128x128xf32, #tpu.memory_space<hbm>>
    %dma_wait3A_379 = arith.constant 0 : i32
    %dma_wait3A_380 = tpu.memref_slice %arg5[%add3A_353, %dma_wait3A_379] : memref<8192x128xf32, #tpu.memory_space<hbm>> -> memref<128x128xf32, #tpu.memory_space<hbm>>
    %dma_wait3A_381 = arith.constant 128 : i32
    %dma_wait3A_382 = arith.constant 0 : i32
    %dma_wait3A_383 = tpu.memref_slice %arg10[%dma_wait3A_381, %dma_wait3A_382] : memref<256x128xf32, #tpu.memory_space<vmem>> -> memref<128x128xf32, #tpu.memory_space<vmem>>
    tpu.wait_dma2 semaphore(%arg14 : memref<!tpu.dma_semaphore, #tpu.memory_space<semaphore_mem>>) src(%dma_wait3A_383 : memref<128x128xf32, #tpu.memory_space<vmem>>) dst(%dma_wait3A_380 : memref<128x128xf32, #tpu.memory_space<hbm>>)
    return
  }
}

module attributes {stable_mosaic.version = 14 : i64} {
  func.func @_ln_body(%arg0: i32, %arg1: memref<1024x128xf32, #tpu.memory_space<vmem>>, %arg2: memref<256x4xi32, #tpu.memory_space<vmem>>, %arg3: memref<3x128xf32, #tpu.memory_space<vmem>>, %arg4: memref<128xf32, #tpu.memory_space<vmem>>, %arg5: memref<128xf32, #tpu.memory_space<vmem>>, %arg6: memref<256x4x128xf32, #tpu.memory_space<vmem>>) attributes {dimension_semantics = [#tpu.dimension_semantics<arbitrary>], iteration_bounds = array<i64: 8>, scalar_prefetch = 0 : i64, scratch_operands = 0 : i64, tpu.core_type = #tpu.core_type<tc>, window_params = [{transform_indices = @transform_0, window_bounds = array<i64: 1024, 128>}, {transform_indices = @transform_1, window_bounds = array<i64: 256, 4>}, {pipeline_mode = #tpu.pipeline_mode<synchronous>, transform_indices = @transform_2, window_bounds = array<i64: 3, 128>}, {pipeline_mode = #tpu.pipeline_mode<synchronous>, transform_indices = @transform_3, window_bounds = array<i64: 128>}, {pipeline_mode = #tpu.pipeline_mode<synchronous>, transform_indices = @transform_4, window_bounds = array<i64: 128>}, {transform_indices = @transform_5, window_bounds = array<i64: 256, 4, 128>}]} {
    %get3A = arith.constant 0 : index
    %get3A_0 = arith.constant 0 : index
    %get3A_1 = vector.load %arg1[%get3A, %get3A_0] : memref<1024x128xf32, #tpu.memory_space<vmem>>, vector<1024x128xf32>
    %reshape3A = vector.shape_cast %get3A_1 : vector<1024x128xf32> to vector<256x4x128xf32>
    %get3A_2 = arith.constant 0 : index
    %get3A_3 = arith.constant 0 : index
    %get3A_4 = vector.load %arg2[%get3A_2, %get3A_3] : memref<256x4xi32, #tpu.memory_space<vmem>>, vector<256x4xi32>
    %broadcast_in_dim3A = vector.shape_cast %get3A_4 : vector<256x4xi32> to vector<256x4x1xi32>
    %get3A_5 = arith.constant 0 : index
    %get3A_6 = arith.constant 0 : index
    %get3A_7 = vector.load %arg3[%get3A_5, %get3A_6] : memref<3x128xf32, #tpu.memory_space<vmem>>, vector<3x128xf32>
    %slice3A = vector.extract_strided_slice %get3A_7 {offsets = [0, 0], sizes = [1, 128], strides = [1, 1]} : vector<3x128xf32> to vector<1x128xf32>
    %squeeze3A = vector.shape_cast %slice3A : vector<1x128xf32> to vector<128xf32>
    %broadcast_in_dim3A_8 = vector.shape_cast %squeeze3A : vector<128xf32> to vector<1x1x128xf32>
    %slice3A_9 = vector.extract_strided_slice %get3A_7 {offsets = [1, 0], sizes = [1, 128], strides = [1, 1]} : vector<3x128xf32> to vector<1x128xf32>
    %squeeze3A_10 = vector.shape_cast %slice3A_9 : vector<1x128xf32> to vector<128xf32>
    %broadcast_in_dim3A_11 = vector.shape_cast %squeeze3A_10 : vector<128xf32> to vector<1x1x128xf32>
    %slice3A_12 = vector.extract_strided_slice %get3A_7 {offsets = [2, 0], sizes = [1, 128], strides = [1, 1]} : vector<3x128xf32> to vector<1x128xf32>
    %squeeze3A_13 = vector.shape_cast %slice3A_12 : vector<1x128xf32> to vector<128xf32>
    %broadcast_in_dim3A_14 = vector.shape_cast %squeeze3A_13 : vector<128xf32> to vector<1x1x128xf32>
    %eq3A = arith.constant 0 : i32
    %eq3A_15 = vector.broadcast %eq3A : i32 to vector<256x4x1xi32>
    %eq3A_16 = arith.cmpi eq, %broadcast_in_dim3A, %eq3A_15 : vector<256x4x1xi32>
    %eq3A_17 = arith.constant 1 : i32
    %eq3A_18 = vector.broadcast %eq3A_17 : i32 to vector<256x4x1xi32>
    %eq3A_19 = arith.cmpi eq, %broadcast_in_dim3A, %eq3A_18 : vector<256x4x1xi32>
    %broadcast_in_dim3A_20 = vector.shape_cast %eq3A_19 : vector<256x4x1xi1> to vector<256x4x1xi1>
    %broadcast_in_dim3A_21 = vector.broadcast %broadcast_in_dim3A_20 : vector<256x4x1xi1> to vector<256x4x128xi1>
    %broadcast_in_dim3A_22 = vector.shape_cast %broadcast_in_dim3A_11 : vector<1x1x128xf32> to vector<1x1x128xf32>
    %broadcast_in_dim3A_23 = vector.broadcast %broadcast_in_dim3A_22 : vector<1x1x128xf32> to vector<256x4x128xf32>
    %broadcast_in_dim3A_24 = vector.shape_cast %broadcast_in_dim3A_14 : vector<1x1x128xf32> to vector<1x1x128xf32>
    %broadcast_in_dim3A_25 = vector.broadcast %broadcast_in_dim3A_24 : vector<1x1x128xf32> to vector<256x4x128xf32>
    %select_n3A = arith.select %broadcast_in_dim3A_21, %broadcast_in_dim3A_23, %broadcast_in_dim3A_25 : vector<256x4x128xi1>, vector<256x4x128xf32>
    %broadcast_in_dim3A_26 = vector.shape_cast %eq3A_16 : vector<256x4x1xi1> to vector<256x4x1xi1>
    %broadcast_in_dim3A_27 = vector.broadcast %broadcast_in_dim3A_26 : vector<256x4x1xi1> to vector<256x4x128xi1>
    %broadcast_in_dim3A_28 = vector.shape_cast %broadcast_in_dim3A_8 : vector<1x1x128xf32> to vector<1x1x128xf32>
    %broadcast_in_dim3A_29 = vector.broadcast %broadcast_in_dim3A_28 : vector<1x1x128xf32> to vector<256x4x128xf32>
    %select_n3A_30 = arith.select %broadcast_in_dim3A_27, %broadcast_in_dim3A_29, %select_n3A : vector<256x4x128xi1>, vector<256x4x128xf32>
    %add3A = arith.addf %reshape3A, %select_n3A_30 : vector<256x4x128xf32>
    %reshape3A_31 = vector.shape_cast %add3A : vector<256x4x128xf32> to vector<1024x128xf32>
    %broadcast_in_dim3A_32 = arith.constant 7.812500e-03 : f32
    %broadcast_in_dim3A_33 = vector.broadcast %broadcast_in_dim3A_32 : f32 to vector<128x128xf32>
    %dot_general3A = arith.constant dense<0.000000e+00> : vector<1024x128xf32>
    %dot_general3A_34 = tpu.matmul %reshape3A_31, %broadcast_in_dim3A_33, %dot_general3A {dimension_numbers = #tpu.dot_dimension_numbers<[1], [0], [0], [1], [0, 0, 1, 1], [], []>, transpose_lhs_hint = false} : vector<1024x128xf32>, vector<128x128xf32>, vector<1024x128xf32> -> vector<1024x128xf32>
    %mul3A = arith.mulf %reshape3A_31, %reshape3A_31 : vector<1024x128xf32>
    %dot_general3A_35 = arith.constant dense<0.000000e+00> : vector<1024x128xf32>
    %dot_general3A_36 = tpu.matmul %mul3A, %broadcast_in_dim3A_33, %dot_general3A_35 {dimension_numbers = #tpu.dot_dimension_numbers<[1], [0], [0], [1], [0, 0, 1, 1], [], []>, transpose_lhs_hint = false} : vector<1024x128xf32>, vector<128x128xf32>, vector<1024x128xf32> -> vector<1024x128xf32>
    %mul3A_37 = arith.mulf %dot_general3A_34, %dot_general3A_34 : vector<1024x128xf32>
    %sub3A = arith.subf %dot_general3A_36, %mul3A_37 : vector<1024x128xf32>
    %sub3A_38 = arith.subf %reshape3A_31, %dot_general3A_34 : vector<1024x128xf32>
    %add3A_39 = arith.constant 9.99999974E-6 : f32
    %add3A_40 = vector.broadcast %add3A_39 : f32 to vector<1024x128xf32>
    %add3A_41 = arith.addf %sub3A, %add3A_40 : vector<1024x128xf32>
    %rsqrt3A = math.rsqrt %add3A_41 : vector<1024x128xf32>
    %mul3A_42 = arith.mulf %sub3A_38, %rsqrt3A : vector<1024x128xf32>
    %get3A_43 = arith.constant 0 : index
    %get3A_44 = vector.load %arg4[%get3A_43] : memref<128xf32, #tpu.memory_space<vmem>>, vector<128xf32>
    %broadcast_in_dim3A_45 = vector.shape_cast %get3A_44 : vector<128xf32> to vector<1x128xf32>
    %mul3A_46 = vector.broadcast %broadcast_in_dim3A_45 : vector<1x128xf32> to vector<1024x128xf32>
    %mul3A_47 = arith.mulf %mul3A_42, %mul3A_46 : vector<1024x128xf32>
    %get3A_48 = arith.constant 0 : index
    %get3A_49 = vector.load %arg5[%get3A_48] : memref<128xf32, #tpu.memory_space<vmem>>, vector<128xf32>
    %broadcast_in_dim3A_50 = vector.shape_cast %get3A_49 : vector<128xf32> to vector<1x128xf32>
    %add3A_51 = vector.broadcast %broadcast_in_dim3A_50 : vector<1x128xf32> to vector<1024x128xf32>
    %add3A_52 = arith.addf %mul3A_47, %add3A_51 : vector<1024x128xf32>
    %reshape3A_53 = vector.shape_cast %add3A_52 : vector<1024x128xf32> to vector<256x4x128xf32>
    %swap3A = arith.constant 0 : index
    %swap3A_54 = arith.constant 0 : index
    %swap3A_55 = arith.constant 0 : index
    %swap3A_56 = vector.load %arg6[%swap3A, %swap3A_54, %swap3A_55] : memref<256x4x128xf32, #tpu.memory_space<vmem>>, vector<256x4x128xf32>
    tpu.vector_store %arg6[%swap3A, %swap3A_54, %swap3A_55], %reshape3A_53 {strides = array<i32>} : memref<256x4x128xf32, #tpu.memory_space<vmem>>, vector<256x4x128xf32>,
    return
  }
  func.func @transform_0(%arg0: i32) -> (i32, i32) {
    %c0_i32 = arith.constant 0 : i32
    %c0_i32_0 = arith.constant 0 : i32
    return %arg0, %c0_i32 : i32, i32
  }
  func.func @transform_1(%arg0: i32) -> (i32, i32) {
    %c0_i32 = arith.constant 0 : i32
    %c0_i32_0 = arith.constant 0 : i32
    return %arg0, %c0_i32 : i32, i32
  }
  func.func @transform_2(%arg0: i32) -> (i32, i32) {
    %c0_i32 = arith.constant 0 : i32
    %c0_i32_0 = arith.constant 0 : i32
    %c0_i32_1 = arith.constant 0 : i32
    return %c0_i32, %c0_i32_0 : i32, i32
  }
  func.func @transform_3(%arg0: i32) -> i32 {
    %c0_i32 = arith.constant 0 : i32
    %c0_i32_0 = arith.constant 0 : i32
    return %c0_i32 : i32
  }
  func.func @transform_4(%arg0: i32) -> i32 {
    %c0_i32 = arith.constant 0 : i32
    %c0_i32_0 = arith.constant 0 : i32
    return %c0_i32 : i32
  }
  func.func @transform_5(%arg0: i32) -> (i32, i32, i32) {
    %c0_i32 = arith.constant 0 : i32
    %c0_i32_0 = arith.constant 0 : i32
    %c0_i32_1 = arith.constant 0 : i32
    return %arg0, %c0_i32, %c0_i32_0 : i32, i32, i32
  }
}

</mosaic_0001>

<sc_bundles>
// kernel: kernel.4.cloned.1.call-start
scs
__scs_entry_jumppad:
0x0: {  	(pc) =	sbr.rel $0x88, $3  }
0x1: {  	(tag) =	ssettag $0x0;
	lr =	simm.s32 $0x1  }
0x2: {  	[smem:$0x3F99] =	sst lr;
	_ =	strace $0xD0000000  }
0x3: {  	_ = 	snop  }
0x4: {  	_ = 	snop  }
0x5: {  	_ = 	snop  }
0x6: {  	_ = 	snop  }
0x7: {  	_ = 	snop  }
__scs_overlays_trampoline_lowered:
0x8: {  	[smem:$0x3FA8] =	sst s0  }
0x9: {  	[smem:$0x3FA9] =	sst s1  }
0xa: {  	[smem:$0x3FAA] =	sst s2  }
0xb: {  	[smem:$0x3FAB] =	sst s3  }
0xc: {  	[smem:$0x3FAC] =	sst s4  }
0xd: {  	[smem:$0x3FAD] =	sst s5  }
0xe: {  	[smem:$0x3FAE] =	sst s6  }
0xf: {  	[smem:$0x3FAF] =	sst s7  }
0x10: {  	[smem:$0x3FB0] =	sst s8  }
0x11: {  	[smem:$0x3FB1] =	sst s9;
	s0 =	simm.s32 @!p0 $0x0  }
0x12: {  	s1 =	sld [smem:$0x3F97];
	s0 =	simm.s32 @p0 $0x1  }
0x13: {  	[smem:$0x3FB2] =	sst s0;
	s0 =	simm.s32 @!p1 $0x0  }
0x14: {  	s2 =	sld [smem:$0x3F96];
	s0 =	simm.s32 @p1 $0x1  }
0x15: {  	[smem:$0x3FB3] =	sst s0;
	s0 =	simm.s32 @!p2 $0x0  }
0x16: {  	s3 =	sld [smem:$0x3FDB];
	s0 =	simm.s32 @p2 $0x1  }
0x17: {  	s4 =	simm.s32 $0x1BF5;
	[smem:$0x3FB5] =	sst s0  }
0x18: {  	s0 =	sld [smem:$0x3F98];
	_ =	swait.ge [sflag:s4], $0x0  }
0x19: {  	s7 =	sld [smem:$0x3F99]  }
0x1a: {  	s8 =	sadd.s32 $0xFFFFE003, lr  }
0x1b: {  	s9 =	sadd.s32 $0xFFFFFEF7, lr;
	s5 =	simm.s32 $0xFFFFFFFF;
	p2 =	slt.u32 s8, $0xFFFFF086  }
0x1c: {  	p1 =	slt.u32 s9, $0xF7A;
	s5 =	simm.s32 @!p2 $0x0  }
0x1d: {  	s5 =	simm.s32 @p1 $0x1;
	p0 =	seq.s32 s7, s2  }
0x1e: {  	s7 =	smul.u32 @!p0 $0xF7A, s2;
	p2 =	seq.s32 @!p0 s5, $0x0  }
0x1f: {  	s9 =	smul.u32 $0xF7A, s1;
	s8 =	simm.s32 @!p0 $0x1BF5;
	p2 =	por !p2, p0  }
0x20: {  	[sflag:s8] =	ssyncset.s32 @!p0 $0xFFFFF086;
	s6 =	sadd.s32 @!p0 s3, s7;
	s7 =	simm.s32 @!p0 $0x108  }
0x21: {  	s3 =	sadd.s32 s3, s9;
	s6 =	sadd.s32 @!p0 $0x88, s6;
	s7 =	simm.s32 @p2 $0x1082  }
0x22: {  	[simem:s7], [sflag:s8] =	dma.local @!p0 [hbm:s6], $0xF7A  }
0x23: {  	s9 =	sor.u32 $0xD0000000, s2;
	s6 =	simm.s32 $0x108;
	_ =	swait.ge @!p0 [sflag:s8], $0x0  }
0x24: {  	s3 =	sadd.s32 $0x88, s3;
	s6 =	simm.s32 @!p1 $0x1082;
	[sflag:s4] =	ssyncset.s32 $0xFFFFF086  }
0x25: {  	[simem:s6], [sflag:s4] =	dma.local [hbm:s3], $0xF7A  }
0x26: {  	[smem:$0x3F99] =	sst s1;
	(tag) =	ssettag s2;
	_ =	strace s9  }
0x27: {  	s1 =	sld [smem:$0x3FA9]  }
0x28: {  	s2 =	sld [smem:$0x3FAA]  }
0x29: {  	s4 =	sld [smem:$0x3FAC]  }
0x2a: {  	p0 =	seq.s32 s5, $0x0;
	s5 =	sld [smem:$0x3FAD]  }
0x2b: {  	s6 =	sld [smem:$0x3FAE]  }
0x2c: {  	s7 =	sld [smem:$0x3FAF]  }
0x2d: {  	s3 =	simm.s32 $0x108;
	s8 =	sld [smem:$0x3FB0]  }
0x2e: {  	s3 =	simm.s32 @!p0 $0x1082;
	s9 =	sld [smem:$0x3FB1]  }
0x2f: {  	lr =	sadd.s32 s0, s3;
	s0 =	sld [smem:$0x3FA8]  }
0x30: {  	s3 =	sld [smem:$0x3FAB]  }
0x31: {  	[smem:$0x3FB4] =	sst s10  }
0x32: {  	s10 =	sld [smem:$0x3FB2];
	_ =	sdelay $0x3  }
0x33: {  	p0 =	seq.s32 s10, $0x1;
	s10 =	sld [smem:$0x3FB4];
	_ =	sdelay $0x3  }
0x34: {  	[smem:$0x3FB4] =	sst s10  }
0x35: {  	s10 =	sld [smem:$0x3FB3];
	_ =	sdelay $0x3  }
0x36: {  	p1 =	seq.s32 s10, $0x1;
	s10 =	sld [smem:$0x3FB4];
	_ =	sdelay $0x3  }
0x37: {  	[smem:$0x3FB4] =	sst s10  }
0x38: {  	s10 =	sld [smem:$0x3FB5]  }
0x39: {  	_ = 	snop;
	(pc) =	sbr.ind lr, $3  }
0x3a: {  	_ = 	snop  }
0x3b: {  	_ = 	snop  }
0x3c: {  	p2 =	seq.s32 s10, $0x1;
	s10 =	sld [smem:$0x3FB4]  }
0x3d: {  	_ =	shalt  }
0x3e: {  	_ =	shalt  }
0x3f: {  	_ =	shalt  }
0x40: {  	_ =	shalt  }
0x41: {  	_ =	shalt  }
0x42: {  	_ =	shalt  }
0x43: {  	_ =	shalt  }
0x44: {  	_ =	shalt  }
0x45: {  	_ =	shalt  }
0x46: {  	_ =	shalt  }
0x47: {  	_ =	shalt  }
0x48: {  	_ =	shalt  }
0x49: {  	_ =	shalt  }
0x4a: {  	_ =	shalt  }
0x4b: {  	_ =	shalt  }
0x4c: {  	_ =	shalt  }
0x4d: {  	_ =	shalt  }
0x4e: {  	_ =	shalt  }
0x4f: {  	_ =	shalt  }
0x50: {  	_ =	shalt  }
0x51: {  	_ =	shalt  }
0x52: {  	_ =	shalt  }
0x53: {  	_ =	shalt  }
0x54: {  	_ =	shalt  }
0x55: {  	_ =	shalt  }
0x56: {  	_ =	shalt  }
0x57: {  	_ =	shalt  }
0x58: {  	_ =	shalt  }
0x59: {  	_ =	shalt  }
0x5a: {  	_ =	shalt  }
0x5b: {  	_ =	shalt  }
0x5c: {  	_ =	shalt  }
0x5d: {  	_ =	shalt  }
0x5e: {  	_ =	shalt  }
0x5f: {  	_ =	shalt  }
0x60: {  	_ =	shalt  }
0x61: {  	_ =	shalt  }
0x62: {  	_ =	shalt  }
0x63: {  	_ =	shalt  }
0x64: {  	_ =	shalt  }
0x65: {  	_ =	shalt  }
0x66: {  	_ =	shalt  }
0x67: {  	_ =	shalt  }
0x68: {  	_ =	shalt  }
0x69: {  	_ =	shalt  }
0x6a: {  	_ =	shalt  }
0x6b: {  	_ =	shalt  }
0x6c: {  	_ =	shalt  }
0x6d: {  	_ =	shalt  }
0x6e: {  	_ =	shalt  }
0x6f: {  	_ =	shalt  }
0x70: {  	_ =	shalt  }
0x71: {  	_ =	shalt  }
0x72: {  	_ =	shalt  }
0x73: {  	_ =	shalt  }
0x74: {  	_ =	shalt  }
0x75: {  	_ =	shalt  }
0x76: {  	_ =	shalt  }
0x77: {  	_ =	shalt  }
0x78: {  	_ =	shalt  }
0x79: {  	_ =	shalt  }
0x7a: {  	_ =	shalt  }
0x7b: {  	_ =	shalt  }
0x7c: {  	_ =	shalt  }
0x7d: {  	_ =	shalt  }
0x7e: {  	_ =	shalt  }
0x7f: {  	_ =	shalt  }
0x80: {  	_ =	shalt  }
0x81: {  	_ =	shalt  }
0x82: {  	_ =	shalt  }
0x83: {  	_ =	shalt  }
0x84: {  	_ =	shalt  }
0x85: {  	_ =	shalt  }
0x86: {  	_ =	shalt  }
0x87: {  	_ =	shalt  }
.Lfunc_end0:
.L_simem_size_0:
called_computation_lowered:
.L_overlay_start_0:
0x88: {  	s2 =	sld [smem:$0x3FD9]  }
0x89: {  	s3 =	sld [smem:$0x3FFE];
	_ =	sdelay $0x1  }
0x8a: {  	s1 =	srdreg.scid  }
0x8b: {  	s0 =	sand.u32 $0x1, s1  }
0x8c: {  	s17 =	sshll.u32 s0, $0xA;
	s2 =	sadd.s32 s3, s2  }
0x8d: {  	s2 =	sadd.s32 s2, s17  }
0x8e: {  	[smem:$0x3FC0] =	sst s2  }
0x8f: {  	_ = 	snop  }
0x90: {  	s2 =	sld [smem:$0x3FC6]  }
0x91: {  	s18 =	sld [smem:$0x3FC4]  }
0x92: {  	s4 =	sld [smem:$0x3FD0];
	(tm) =	ssettm $0x1  }
0x93: {  	s5 =	sld [smem:$0x3FFB];
	_ =	sdelay $0x3  }
0x94: {  	_ =	strace s5  }
0x95: {  	s5 =	sld [smem:$0x3FFC];
	_ =	sdelay $0x3  }
0x96: {  	_ =	strace s5  }
0x97: {  	s5 =	sld [smem:$0x3FFD];
	_ =	sdelay $0x3  }
0x98: {  	_ =	strace s5  }
0x99: {  	_ =	strace $0x8FFFFFFF  }
0x9a: {  	s19 =	sld [smem:$0x3FDB];
	_ =	sdelay $0x1  }
0x9b: {  	s6 =	simm.s32 $_scs_section_size  }
0x9c: {  	s7 =	simm.s32 $_size__tile_overlayer_lowered;
	s8 =	simm.s32 $_tile_overlayer_lowered  }
0x9d: {  	s22 =	simm.s32 $0x1BFF;
	s21 =	sshll.u32 s8, $0x1;
	s5 =	sadd.s32 s6, s19  }
0x9e: {  	s9 =	simm.s32 $0x0;
	s20 =	sshll.u32 s7, $0x1;
	s7 =	sadd.s32 s21, s5  }
0x9f: {  	[timem:s9], [sflag:s22] =	dma.local [hbm:s7], s20  }
0xa0: {  	_ =	swait.ge [sflag:s22], s20  }
0xa1: {  	s6 =	ssub.s32 $0x0, s20;
	[sflag:s22] =	ssyncset.done $0x0  }
0xa2: {  	[sflag:s22] =	ssyncadd.s32 s6;
	_ =	sdelay $0x1  }
0xa3: {  	s23 =	simm.s32 $0x1B8B  }
0xa4: {  	_ =	swait.ge [sflag:s23], $0x1  }
0xa5: {  	[sflag:s23] =	ssyncset.done $0x0  }
0xa6: {  	s25 =	simm.s32 $0x1B8E;
	s24 =	sld [smem:$0x3FFE];
	[sflag:s23] =	ssyncadd.s32 $0xFFFFFFFF  }
0xa7: {  	s26 =	simm.s32 $execute0_lowered;
	[smem:$0x3FD2] =	sst s25  }
0xa8: {  	s7 =	sshll.u32 s26, $0x1;
	_ =	strace $0x80000046;
	[dreg:$0x1] =	wrdreg $0xFFFFFFFF  }
0xa9: {  	s28 =	simm.s32 $_size_execute0_lowered;
	s5 =	sadd.s32 s5, s7;
	[dreg:$0x0] =	wrdreg $0x0  }
0xaa: {  	s7 =	sshll.u32 s28, $0x1;
	[dreg:$0x2] =	wrdreg s5  }
0xab: {  	[dreg:$0x3] =	wrdreg s7  }
0xac: {  	[dreg:$0x4] =	wrdreg $0xC0  }
0xad: {  	_ =	task [dreg:s9], $0x5FFFF  }
0xae: {  	[dreg:$0x1] =	wrdreg $0xFFFFFFFF  }
0xaf: {  	[dreg:$0x0] =	wrdreg $0x60  }
0xb0: {  	[dreg:$0x2] =	wrdreg s24  }
0xb1: {  	[dreg:$0x3] =	wrdreg s2  }
0xb2: {  	[dreg:$0x4] =	wrdreg s18  }
0xb3: {  	[dreg:$0x5] =	wrdreg s4  }
0xb4: {  	[dreg:$0x6] =	wrdreg $0x9  }
0xb5: {  	_ =	task.clear_ibuf [dreg:s9], $0x7FFFF;
	_ =	strace $0x90000046  }
0xb6: {  	s29 =	simm.s32 $0x9;
	_ =	strace $0x80000048  }
0xb7: {  	_ =	swait.ge [sflag:s29], $0x1  }
0xb8: {  	[sflag:s29] =	ssyncadd.s32 $0xFFFFFFFF  }
0xb9: {  	_ =	strace $0x90000048  }
0xba: {  	_ =	sfence  }
0xbb: {  	s30 =	sld [smem:$0x0];
	_ =	sdelay $0x2  }
0xbc: {  	s31 =	sshll.u32 s1, $0xD;
	s1 =	sshrl.u32 s1, $0x2  }
0xbd: {  	s3 =	sand.u32 $0x4000, s31;
	s1 =	sadd.s32 s1, s30  }
0xbe: {  	s0 =	sor.u32 s3, s0;
	s1 =	sshll.u32 s1, $0x11  }
0xbf: {  	s0 =	sor.u32 s1, s0  }
0xc0: {  	s0 =	sadd.s32 $0x8F2B, s0  }
0xc1: {  	[sflag:s0] =	ssyncadd.remote.s32 $0x1  }
0xc2: {  	_ =	sfence.sel $0xFFFF  }
0xc3: {  	[dreg:$0x0] =	wrdreg $0xFFFFFFFF;
	(pc) =	sbr.abs _section_cstart, $3  }
0xc4: {  	[dreg:$0x1] =	wrdreg $0xFFFFFFFF  }
0xc5: {  	_ =	task.clear_ibuf [dreg:s9], $0x2FFFF;
	_ =	strace $0x9FFFFFFF  }
0xc6: {  	(tm) =	ssettm $0x7FFFFFFF  }
0xc7: {  	_ =	shalt  }
tec
execute0_lowered:
.L_overlay_start_1:
0x0: {  	(tag) =	ssettag $0x1  }
0x1: {  	v0 =	vimm.s32 $0x3210;
	v1 =	vimm.s32 $0x83828180  }
0x2: {  	vm0 =	vcmask $0xF00;
	vm15 =	vcmask $0x1F10;
	vm6 =	vcmask $0x2320  }
0x3: {  	vm5 =	vcmask $0x2724;
	vm4 =	vcmask $0x2B28;
	vm3 =	vcmask $0x2F2C  }
0x4: {  	vm2 =	vcmask $0x3330;
	v39 =	vimm.s32 $0x383;
	vm14 =	vcmask $0x300  }
0x5: {  	vm13 =	vcmask $0x704;
	vm1 =	vcmask $0x3B38;
	vm12 =	vcmask $0xB08  }
0x6: {  	vm11 =	vcmask $0xF0C;
	v41 =	vimm.s32 $0x583;
	v2 =	vimm.s32 $0x783  }
0x7: {  	vm7 =	vcmask $0x1310;
	vm8 =	vcmask $0x1714;
	vm9 =	vcmask $0x1B18  }
0x8: {  	vm10 =	vcmask $0x1F1C;
	v44 =	vimm.s32 $0x983;
	v0 =	vunpack.c.l.s4.s8 v0  }
0x9: {  	v45 =	vimm.s32 $0xB83;
	v46 =	vimm.s32 $0xD83;
	v49 =	vimm.s32 $0xF83  }
0xa: {  	v50 =	vimm.s32 $0x1183;
	v1 =	vunpack.c.0.s8.s32 v1;
	v0 =	vunpack.c.0.s8.s32 v0  }
0xb: {  	v51 =	vimm.s32 $0x1383;
	v54 =	vimm.s32 $0x1583;
	v55 =	vimm.s32 $0x1783  }
0xc: {  	v56 =	vimm.s32 $0x1983;
	v1 =	vand.u32 $0xFF, v1;
	v0 =	vnsel vm0, $0x183, v0  }
0xd: {  	v59 =	vimm.s32 $0x1B83;
	v2 =	vsel vm14, $0x600, v2;
	v0 =	vsel vm15, v1, v0  }
0xe: {  	v60 =	vimm.s32 $0x1D83;
	v2 =	vsel vm13, $0x601, v2;
	v0 =	vsel vm6, $0x100, v0  }
0xf: {  	v61 =	vimm.s32 $0x1F83;
	v2 =	vsel vm12, $0x602, v2;
	v0 =	vsel vm5, $0x101, v0  }
0x10: {  	v2 =	vsel vm11, $0x603, v2;
	vm0 =	vcmask $0x3734;
	v0 =	vsel vm4, $0x102, v0  }
0x11: {  	v2 =	vsel vm7, $0x680, v2;
	v1 =	vsel vm14, $0x200, v39;
	v0 =	vsel vm3, $0x103, v0  }
0x12: {  	v2 =	vsel vm8, $0x681, v2;
	v1 =	vsel vm13, $0x201, v1;
	v0 =	vsel vm2, $0x180, v0  }
0x13: {  	v2 =	vsel vm9, $0x682, v2;
	v40 =	vsel vm12, $0x202, v1;
	v0 =	vsel vm0, $0x181, v0  }
0x14: {  	v1 =	vsel vm14, $0x400, v41;
	v2 =	vsel vm10, $0x683, v2;
	v0 =	vsel vm1, $0x182, v0  }
0x15: {  	v1 =	vsel vm13, $0x401, v1;
	v2 =	vsel vm6, $0x700, v2;
	[tilespmem:$0x1FF00] =	vst v0;
	v0 =	vsel vm11, $0x203, v40  }
0x16: {  	v1 =	vsel vm12, $0x402, v1;
	v2 =	vsel vm5, $0x701, v2;
	v0 =	vsel vm7, $0x280, v0  }
0x17: {  	v1 =	vsel vm11, $0x403, v1;
	v2 =	vsel vm4, $0x702, v2;
	v0 =	vsel vm8, $0x281, v0  }
0x18: {  	v1 =	vsel vm7, $0x480, v1;
	v2 =	vsel vm3, $0x703, v2;
	v0 =	vsel vm9, $0x282, v0  }
0x19: {  	v1 =	vsel vm8, $0x481, v1;
	v2 =	vsel vm2, $0x780, v2;
	v0 =	vsel vm10, $0x283, v0  }
0x1a: {  	v1 =	vsel vm9, $0x482, v1;
	v2 =	vsel vm0, $0x781, v2;
	v0 =	vsel vm6, $0x300, v0  }
0x1b: {  	v1 =	vsel vm10, $0x483, v1;
	v43 =	vsel vm1, $0x782, v2;
	v0 =	vsel vm5, $0x301, v0  }
0x1c: {  	v2 =	vsel vm14, $0xC00, v46;
	v1 =	vsel vm6, $0x500, v1;
	v0 =	vsel vm4, $0x302, v0  }
0x1d: {  	v2 =	vsel vm13, $0xC01, v2;
	v1 =	vsel vm5, $0x501, v1;
	v0 =	vsel vm3, $0x303, v0  }
0x1e: {  	v2 =	vsel vm12, $0xC02, v2;
	v1 =	vsel vm4, $0x502, v1;
	v0 =	vsel vm2, $0x380, v0  }
0x1f: {  	v2 =	vsel vm11, $0xC03, v2;
	v1 =	vsel vm3, $0x503, v1;
	v0 =	vsel vm0, $0x381, v0  }
0x20: {  	v2 =	vsel vm7, $0xC80, v2;
	v1 =	vsel vm2, $0x580, v1;
	v0 =	vsel vm1, $0x382, v0  }
0x21: {  	v2 =	vsel vm8, $0xC81, v2;
	v1 =	vsel vm0, $0x581, v1;
	[tilespmem:$0x1FF10] =	vst v0;
	v0 =	vsel vm14, $0x800, v44  }
0x22: {  	v2 =	vsel vm9, $0xC82, v2;
	v42 =	vsel vm1, $0x582, v1;
	v0 =	vsel vm13, $0x801, v0  }
0x23: {  	v1 =	vsel vm14, $0xA00, v45;
	v2 =	vsel vm10, $0xC83, v2;
	v0 =	vsel vm12, $0x802, v0  }
0x24: {  	v1 =	vsel vm13, $0xA01, v1;
	v2 =	vsel vm6, $0xD00, v2;
	v0 =	vsel vm11, $0x803, v0  }
0x25: {  	v1 =	vsel vm12, $0xA02, v1;
	v2 =	vsel vm5, $0xD01, v2;
	v0 =	vsel vm7, $0x880, v0  }
0x26: {  	v1 =	vsel vm11, $0xA03, v1;
	v2 =	vsel vm4, $0xD02, v2;
	v0 =	vsel vm8, $0x881, v0  }
0x27: {  	v1 =	vsel vm7, $0xA80, v1;
	v2 =	vsel vm3, $0xD03, v2;
	v0 =	vsel vm9, $0x882, v0  }
0x28: {  	v1 =	vsel vm8, $0xA81, v1;
	v2 =	vsel vm2, $0xD80, v2;
	v0 =	vsel vm10, $0x883, v0  }
0x29: {  	v1 =	vsel vm9, $0xA82, v1;
	v2 =	vsel vm0, $0xD81, v2;
	v0 =	vsel vm6, $0x900, v0  }
0x2a: {  	v1 =	vsel vm10, $0xA83, v1;
	v48 =	vsel vm1, $0xD82, v2;
	v0 =	vsel vm5, $0x901, v0  }
0x2b: {  	v2 =	vsel vm14, $0x1200, v51;
	v1 =	vsel vm6, $0xB00, v1;
	v0 =	vsel vm4, $0x902, v0  }
0x2c: {  	v2 =	vsel vm13, $0x1201, v2;
	v1 =	vsel vm5, $0xB01, v1;
	v0 =	vsel vm3, $0x903, v0  }
0x2d: {  	v2 =	vsel vm12, $0x1202, v2;
	v1 =	vsel vm4, $0xB02, v1;
	v0 =	vsel vm2, $0x980, v0  }
0x2e: {  	v2 =	vsel vm11, $0x1203, v2;
	v1 =	vsel vm3, $0xB03, v1;
	v0 =	vsel vm0, $0x981, v0  }
0x2f: {  	v2 =	vsel vm7, $0x1280, v2;
	v1 =	vsel vm2, $0xB80, v1;
	v0 =	vsel vm1, $0x982, v0  }
0x30: {  	v2 =	vsel vm8, $0x1281, v2;
	v1 =	vsel vm0, $0xB81, v1;
	[tilespmem:$0x1FF40] =	vst v0;
	v0 =	vsel vm14, $0xE00, v49  }
0x31: {  	v47 =	vsel vm1, $0xB82, v1;
	v1 =	vsel vm14, $0x1000, v50;
	v0 =	vsel vm13, $0xE01, v0  }
0x32: {  	v2 =	vsel vm9, $0x1282, v2;
	v1 =	vsel vm13, $0x1001, v1;
	v0 =	vsel vm12, $0xE02, v0  }
0x33: {  	v2 =	vsel vm10, $0x1283, v2;
	v1 =	vsel vm12, $0x1002, v1;
	v0 =	vsel vm11, $0xE03, v0  }
0x34: {  	v2 =	vsel vm6, $0x1300, v2;
	v1 =	vsel vm11, $0x1003, v1;
	v0 =	vsel vm7, $0xE80, v0  }
0x35: {  	v2 =	vsel vm5, $0x1301, v2;
	v1 =	vsel vm7, $0x1080, v1;
	v0 =	vsel vm8, $0xE81, v0  }
0x36: {  	v2 =	vsel vm4, $0x1302, v2;
	v1 =	vsel vm8, $0x1081, v1;
	v0 =	vsel vm9, $0xE82, v0  }
0x37: {  	v2 =	vsel vm3, $0x1303, v2;
	v1 =	vsel vm9, $0x1082, v1;
	v0 =	vsel vm10, $0xE83, v0  }
0x38: {  	v2 =	vsel vm2, $0x1380, v2;
	v1 =	vsel vm10, $0x1083, v1;
	v0 =	vsel vm6, $0xF00, v0  }
0x39: {  	v2 =	vsel vm0, $0x1381, v2;
	v1 =	vsel vm6, $0x1100, v1;
	v0 =	vsel vm5, $0xF01, v0  }
0x3a: {  	v53 =	vsel vm1, $0x1382, v2;
	v1 =	vsel vm5, $0x1101, v1;
	v0 =	vsel vm4, $0xF02, v0  }
0x3b: {  	v2 =	vsel vm14, $0x1800, v56;
	v1 =	vsel vm4, $0x1102, v1;
	v0 =	vsel vm3, $0xF03, v0  }
0x3c: {  	v2 =	vsel vm13, $0x1801, v2;
	v1 =	vsel vm3, $0x1103, v1;
	v0 =	vsel vm2, $0xF80, v0  }
0x3d: {  	v2 =	vsel vm12, $0x1802, v2;
	v1 =	vsel vm2, $0x1180, v1;
	v0 =	vsel vm0, $0xF81, v0  }
0x3e: {  	v2 =	vsel vm11, $0x1803, v2;
	v1 =	vsel vm0, $0x1181, v1;
	v0 =	vsel vm1, $0xF82, v0  }
0x3f: {  	v52 =	vsel vm1, $0x1182, v1;
	v1 =	vsel vm14, $0x1600, v55;
	[tilespmem:$0x1FF70] =	vst v0;
	v0 =	vsel vm14, $0x1400, v54  }
0x40: {  	v2 =	vsel vm7, $0x1880, v2;
	v1 =	vsel vm13, $0x1601, v1;
	v0 =	vsel vm13, $0x1401, v0  }
0x41: {  	v2 =	vsel vm8, $0x1881, v2;
	v1 =	vsel vm12, $0x1602, v1;
	v0 =	vsel vm12, $0x1402, v0  }
0x42: {  	v2 =	vsel vm9, $0x1882, v2;
	v1 =	vsel vm11, $0x1603, v1;
	v0 =	vsel vm11, $0x1403, v0  }
0x43: {  	v2 =	vsel vm10, $0x1883, v2;
	v1 =	vsel vm7, $0x1680, v1;
	v0 =	vsel vm7, $0x1480, v0  }
0x44: {  	v2 =	vsel vm6, $0x1900, v2;
	v1 =	vsel vm8, $0x1681, v1;
	v0 =	vsel vm8, $0x1481, v0  }
0x45: {  	v2 =	vsel vm5, $0x1901, v2;
	v1 =	vsel vm9, $0x1682, v1;
	v0 =	vsel vm9, $0x1482, v0  }
0x46: {  	v2 =	vsel vm4, $0x1902, v2;
	v1 =	vsel vm10, $0x1683, v1;
	v0 =	vsel vm10, $0x1483, v0  }
0x47: {  	v2 =	vsel vm3, $0x1903, v2;
	v1 =	vsel vm6, $0x1700, v1;
	v0 =	vsel vm6, $0x1500, v0  }
0x48: {  	v2 =	vsel vm2, $0x1980, v2;
	v1 =	vsel vm5, $0x1701, v1;
	v0 =	vsel vm5, $0x1501, v0  }
0x49: {  	v2 =	vsel vm0, $0x1981, v2;
	v1 =	vsel vm4, $0x1702, v1;
	v0 =	vsel vm4, $0x1502, v0  }
0x4a: {  	v58 =	vsel vm1, $0x1982, v2;
	v1 =	vsel vm3, $0x1703, v1;
	v0 =	vsel vm3, $0x1503, v0  }
0x4b: {  	v2 =	vsel vm14, $0x1E00, v61;
	v1 =	vsel vm2, $0x1780, v1;
	v0 =	vsel vm2, $0x1580, v0  }
0x4c: {  	v2 =	vsel vm13, $0x1E01, v2;
	v1 =	vsel vm0, $0x1781, v1;
	v0 =	vsel vm0, $0x1581, v0  }
0x4d: {  	v57 =	vsel vm1, $0x1782, v1;
	v1 =	vsel vm14, $0x1C00, v60;
	v0 =	vsel vm1, $0x1582, v0  }
0x4e: {  	s5 =	rddreg [dreg:$0x0];
	v2 =	vsel vm12, $0x1E02, v2;
	v1 =	vsel vm13, $0x1C01, v1;
	[tilespmem:$0x1FFA0] =	vst v0;
	v0 =	vsel vm14, $0x1A00, v59  }
0x4f: {  	s0 =	rddreg [dreg:$0x1];
	v2 =	vsel vm11, $0x1E03, v2;
	v1 =	vsel vm12, $0x1C02, v1;
	v0 =	vsel vm13, $0x1A01, v0  }
0x50: {  	s1 =	rddreg [dreg:$0x2];
	v2 =	vsel vm7, $0x1E80, v2;
	v1 =	vsel vm11, $0x1C03, v1;
	v0 =	vsel vm12, $0x1A02, v0  }
0x51: {  	s6 =	rddreg [dreg:$0x3];
	v2 =	vsel vm8, $0x1E81, v2;
	v1 =	vsel vm7, $0x1C80, v1;
	v0 =	vsel vm11, $0x1A03, v0  }
0x52: {  	s2 =	rddreg [dreg:$0x4];
	s11 =	simm.s32 $0x2000;
	v2 =	vsel vm9, $0x1E82, v2;
	v1 =	vsel vm8, $0x1C81, v1;
	v0 =	vsel vm7, $0x1A80, v0  }
0x53: {  	s7 =	srdreg.scid;
	s13 =	simm.s32 $0x4000;
	s14 =	simm.s32 $0x4200;
	[tilespmem:$0x1FF30] =	vst v43;
	v2 =	vsel vm10, $0x1E83, v2;
	v1 =	vsel vm9, $0x1C82, v1;
	v0 =	vsel vm8, $0x1A81, v0  }
0x54: {  	s3 =	stileid.u32;
	s15 =	simm.s32 $0x4100;
	s16 =	simm.s32 $0xC200;
	[tilespmem:$0x1FF20] =	vst v42;
	v2 =	vsel vm6, $0x1F00, v2;
	v1 =	vsel vm10, $0x1C83, v1;
	v0 =	vsel vm9, $0x1A82, v0  }
0x55: {  	s4 =	simm.s32 $0x0;
	s17 =	simm.s32 $0x4080;
	s18 =	simm.s32 $0x8200;
	[tilespmem:$0x1FF60] =	vst v48;
	v2 =	vsel vm5, $0x1F01, v2;
	v1 =	vsel vm6, $0x1D00, v1;
	v0 =	vsel vm10, $0x1A83, v0  }
0x56: {  	s12 =	simm.s32 $0x80;
	s19 =	simm.s32 $0x4180;
	s20 =	simm.s32 $0x10200;
	[tilespmem:$0x1FF50] =	vst v47;
	v2 =	vsel vm4, $0x1F02, v2;
	v1 =	vsel vm5, $0x1D01, v1;
	v0 =	vsel vm6, $0x1B00, v0  }
0x57: {  	s21 =	simm.s32 $0x1;
	s22 =	simm.s32 $0x2;
	s23 =	simm.s32 $0x3;
	[tilespmem:$0x1FF90] =	vst v53;
	v2 =	vsel vm3, $0x1F03, v2;
	v1 =	vsel vm4, $0x1D02, v1;
	v0 =	vsel vm5, $0x1B01, v0  }
0x58: {  	s24 =	simm.s32 $0x0;
	s7 =	sand.u32 $0x1, s7;
	s8 =	sshll.u32 s3, $0x1;
	[tilespmem:$0x1FF80] =	vst v52;
	v2 =	vsel vm2, $0x1F80, v2;
	v1 =	vsel vm3, $0x1D03, v1;
	v0 =	vsel vm4, $0x1B02, v0  }
0x59: {  	[smem:$0x7FF] =	sst s4;
	s8 =	sor.u32 s7, s8;
	s7 =	ssub.s32 $0x2, s7;
	[tilespmem:$0x1FFC0] =	vst v58;
	v2 =	vsel vm0, $0x1F81, v2;
	v1 =	vsel vm2, $0x1D80, v1;
	v0 =	vsel vm3, $0x1B03, v0  }
0x5a: {  	s9 =	sshll.u32 s8, $0xA;
	s31 =	sshrl.u32 s7, $0x1;
	s8 =	sshll.u32 s8, $0xC;
	[tilespmem:$0x1FFB0] =	vst v57;
	v63 =	vsel vm1, $0x1F82, v2;
	v1 =	vsel vm0, $0x1D81, v1;
	v0 =	vsel vm2, $0x1B80, v0  }
0x5b: {  	s9 =	sadd.s32 s9, s5;
	s10 =	ssub.s32 s7, s31;
	_ =	strace $0x80000047;
	[tilespmem:$0x1FFF0] =	vst v63;
	v62 =	vsel vm1, $0x1D82, v1;
	v0 =	vsel vm0, $0x1B81, v0  }
0x5c: {  	s6 =	sadd.s32 s6, s8;
	s5 =	sadd.s32 $0xE00, s9;
	s7 =	sadd.s32 $0x8E00, s9;
	[tilespmem:$0x1FFE0] =	vst v62;
	v0 =	vsel vm1, $0x1B82, v0  }
0x5d: {  	s8 =	sadd.s32 $0x800, s6;
	s9 =	smax.u32 s10, $0x1;
	s10 =	simm.s32 $0x4;
	[tilespmem:$0x1FFD0] =	vst v0  }
.LBB2_1:
0x5e: {  	[tilespmem:s4], [sflag:$0x4] =	stream.linear.gather [hbm4b:s5+s4], $0x2000, $0x38;
	[tilespmem:$0x14200] =	vst v63  }
0x5f: {  	_ =	swait.ge [sflag:s10], $0x2000  }
0x60: {  	[sflag:s10] =	ssyncset.done $0x0  }
0x61: {  	[sflag:s10] =	ssyncadd.s32 $0xFFFFE000  }
0x62: {  	[tilespmem:s11], [sflag:$0x4] =	stream.linear.gather [hbm4b:s7+s4], $0x2000, $0x38;
	[tilespmem:$0x14200] =	vst v63  }
0x63: {  	_ =	swait.ge [sflag:s10], $0x2000  }
0x64: {  	v1 =	vld [tilespmem:$0x1FF00];
	_ =	sdelay $0x5  }
0x65: {  	[sflag:s10] =	ssyncset.done $0x0  }
0x66: {  	[sflag:s10] =	ssyncadd.s32 $0xFFFFE000  }
0x67: {  	v0 =	vld.idx.msk [tilespmem:v1+s4+$0x0], $0xffff  }
0x68: {  	v1 =	vld.idx.msk [tilespmem:v1+s11+$0x0], $0xffff;
	_ =	sdelay $0x4  }
0x69: {  	[tilespmem:$0x4100] =	vst v1;
	v1 =	vld [tilespmem:$0x1FF10];
	_ =	sdelay $0x6  }
0x6a: {  	[tilespmem:$0x4000] =	vst v0  }
0x6b: {  	v0 =	vld.idx.msk [tilespmem:v1+s4+$0x0], $0xffff  }
0x6c: {  	v1 =	vld.idx.msk [tilespmem:v1+s11+$0x0], $0xffff;
	_ =	sdelay $0x4  }
0x6d: {  	[tilespmem:$0x4110] =	vst v1;
	v1 =	vld [tilespmem:$0x1FF20];
	_ =	sdelay $0x6  }
0x6e: {  	[tilespmem:$0x4010] =	vst v0  }
0x6f: {  	v0 =	vld.idx.msk [tilespmem:v1+s4+$0x0], $0xffff  }
0x70: {  	v1 =	vld.idx.msk [tilespmem:v1+s11+$0x0], $0xffff;
	_ =	sdelay $0x4  }
0x71: {  	[tilespmem:$0x4120] =	vst v1;
	v1 =	vld [tilespmem:$0x1FF30];
	_ =	sdelay $0x6  }
0x72: {  	[tilespmem:$0x4020] =	vst v0  }
0x73: {  	v0 =	vld.idx.msk [tilespmem:v1+s4+$0x0], $0xffff  }
0x74: {  	v1 =	vld.idx.msk [tilespmem:v1+s11+$0x0], $0xffff;
	_ =	sdelay $0x4  }
0x75: {  	[tilespmem:$0x4130] =	vst v1;
	v1 =	vld [tilespmem:$0x1FF40];
	_ =	sdelay $0x6  }
0x76: {  	[tilespmem:$0x4030] =	vst v0  }
0x77: {  	v0 =	vld.idx.msk [tilespmem:v1+s4+$0x0], $0xffff  }
0x78: {  	v1 =	vld.idx.msk [tilespmem:v1+s11+$0x0], $0xffff;
	_ =	sdelay $0x4  }
0x79: {  	[tilespmem:$0x4140] =	vst v1;
	v1 =	vld [tilespmem:$0x1FF50];
	_ =	sdelay $0x6  }
0x7a: {  	[tilespmem:$0x4040] =	vst v0  }
0x7b: {  	v0 =	vld.idx.msk [tilespmem:v1+s4+$0x0], $0xffff  }
0x7c: {  	v1 =	vld.idx.msk [tilespmem:v1+s11+$0x0], $0xffff;
	_ =	sdelay $0x4  }
0x7d: {  	[tilespmem:$0x4150] =	vst v1;
	v1 =	vld [tilespmem:$0x1FF60];
	_ =	sdelay $0x6  }
0x7e: {  	[tilespmem:$0x4050] =	vst v0  }
0x7f: {  	v0 =	vld.idx.msk [tilespmem:v1+s4+$0x0], $0xffff  }
0x80: {  	v1 =	vld.idx.msk [tilespmem:v1+s11+$0x0], $0xffff;
	_ =	sdelay $0x4  }
0x81: {  	[tilespmem:$0x4160] =	vst v1;
	v1 =	vld [tilespmem:$0x1FF70];
	_ =	sdelay $0x6  }
0x82: {  	[tilespmem:$0x4060] =	vst v0  }
0x83: {  	v0 =	vld.idx.msk [tilespmem:v1+s4+$0x0], $0xffff  }
0x84: {  	v1 =	vld.idx.msk [tilespmem:v1+s11+$0x0], $0xffff;
	_ =	sdelay $0x4  }
0x85: {  	[tilespmem:$0x4170] =	vst v1;
	v1 =	vld [tilespmem:$0x1FF80];
	_ =	sdelay $0x6  }
0x86: {  	[tilespmem:$0x4070] =	vst v0  }
0x87: {  	v0 =	vld.idx.msk [tilespmem:v1+s4+$0x0], $0xffff  }
0x88: {  	v1 =	vld.idx.msk [tilespmem:v1+s11+$0x0], $0xffff;
	_ =	sdelay $0x4  }
0x89: {  	[tilespmem:$0x4180] =	vst v1;
	v1 =	vld [tilespmem:$0x1FF90];
	_ =	sdelay $0x6  }
0x8a: {  	[tilespmem:$0x4080] =	vst v0  }
0x8b: {  	v0 =	vld.idx.msk [tilespmem:v1+s4+$0x0], $0xffff  }
0x8c: {  	v1 =	vld.idx.msk [tilespmem:v1+s11+$0x0], $0xffff;
	_ =	sdelay $0x4  }
0x8d: {  	[tilespmem:$0x4190] =	vst v1;
	v1 =	vld [tilespmem:$0x1FFA0];
	_ =	sdelay $0x6  }
0x8e: {  	[tilespmem:$0x4090] =	vst v0  }
0x8f: {  	v0 =	vld.idx.msk [tilespmem:v1+s4+$0x0], $0xffff  }
0x90: {  	v1 =	vld.idx.msk [tilespmem:v1+s11+$0x0], $0xffff;
	_ =	sdelay $0x4  }
0x91: {  	[tilespmem:$0x41A0] =	vst v1;
	v1 =	vld [tilespmem:$0x1FFB0];
	_ =	sdelay $0x6  }
0x92: {  	[tilespmem:$0x40A0] =	vst v0  }
0x93: {  	v0 =	vld.idx.msk [tilespmem:v1+s4+$0x0], $0xffff  }
0x94: {  	v1 =	vld.idx.msk [tilespmem:v1+s11+$0x0], $0xffff;
	_ =	sdelay $0x4  }
0x95: {  	[tilespmem:$0x41B0] =	vst v1;
	v1 =	vld [tilespmem:$0x1FFC0];
	_ =	sdelay $0x6  }
0x96: {  	[tilespmem:$0x40B0] =	vst v0  }
0x97: {  	v0 =	vld.idx.msk [tilespmem:v1+s4+$0x0], $0xffff  }
0x98: {  	v1 =	vld.idx.msk [tilespmem:v1+s11+$0x0], $0xffff;
	_ =	sdelay $0x4  }
0x99: {  	[tilespmem:$0x41C0] =	vst v1;
	v1 =	vld [tilespmem:$0x1FFD0];
	_ =	sdelay $0x6  }
0x9a: {  	[tilespmem:$0x40C0] =	vst v0  }
0x9b: {  	v0 =	vld.idx.msk [tilespmem:v1+s4+$0x0], $0xffff  }
0x9c: {  	v1 =	vld.idx.msk [tilespmem:v1+s11+$0x0], $0xffff;
	_ =	sdelay $0x4  }
0x9d: {  	[tilespmem:$0x41D0] =	vst v1;
	v1 =	vld [tilespmem:$0x1FFE0];
	_ =	sdelay $0x6  }
0x9e: {  	[tilespmem:$0x40D0] =	vst v0  }
0x9f: {  	v0 =	vld.idx.msk [tilespmem:v1+s4+$0x0], $0xffff  }
0xa0: {  	v1 =	vld.idx.msk [tilespmem:v1+s11+$0x0], $0xffff;
	_ =	sdelay $0x4  }
0xa1: {  	[tilespmem:$0x41E0] =	vst v1;
	v1 =	vld [tilespmem:$0x1FFF0];
	_ =	sdelay $0x6  }
0xa2: {  	[tilespmem:$0x40E0] =	vst v0  }
0xa3: {  	v0 =	vld.idx.msk [tilespmem:v1+s4+$0x0], $0xffff  }
0xa4: {  	v1 =	vld.idx.msk [tilespmem:v1+s11+$0x0], $0xffff;
	_ =	sdelay $0x3  }
0xa5: {  	[tilespmem:$0x40F0] =	vst v0  }
0xa6: {  	[tilespmem:$0x41F0] =	vst v1  }
0xa7: {  	[tilespmem:s14], [sflag:$0x1] =	stream.indirect.gather [hbm4b:s0+s12], $0x80, s13, s12, $0xb8;
	[tilespmem:$0x14200] =	vst v63  }
0xa8: {  	_ = 	snop  }
0xa9: {  	[tilespmem:s16], [sflag:$0x1] =	stream.indirect.gather [hbm4b:s1+s12], $0x80, s15, s12, $0xb8;
	[tilespmem:$0x14200] =	vst v63  }
0xaa: {  	_ = 	snop  }
0xab: {  	[tilespmem:s18], [sflag:$0x2] =	stream.indirect.gather [hbm4b:s0+s12], $0x80, s17, s12, $0xb8;
	[tilespmem:$0x14200] =	vst v63  }
0xac: {  	_ = 	snop  }
0xad: {  	[tilespmem:s20], [sflag:$0x2] =	stream.indirect.gather [hbm4b:s1+s12], $0x80, s19, s12, $0xb8;
	[tilespmem:$0x14200] =	vst v63  }
0xae: {  	_ =	swait.ge [sflag:s21], $0x4000  }
0xaf: {  	[sflag:s21] =	ssyncset.done $0x0  }
0xb0: {  	[sflag:s21] =	ssyncadd.s32 $0xFFFFC000  }
0xb1: {  	_ =	swait.ge [sflag:s21], $0x4000  }
0xb2: {  	[sflag:s21] =	ssyncset.done $0x0  }
0xb3: {  	s25 =	simm.s32 $0x4400;
	[sflag:s21] =	ssyncadd.s32 $0xFFFFC000  }
0xb4: {  	v0 =	vld [tilespmem:s25+$0x180]  }
0xb5: {  	s26 =	simm.s32 $0xC400;
	v1 =	vld [tilespmem:s25+$0xFFFFFE80]  }
0xb6: {  	v2 =	vld [tilespmem:s26+$0x180]  }
0xb7: {  	v3 =	vld [tilespmem:s25+$0xFFFFFF00]  }
0xb8: {  	v4 =	vld [tilespmem:s25+$0xFFFFFF80]  }
0xb9: {  	v5 =	vld [tilespmem:s25+$0x0]  }
0xba: {  	v6 =	vld [tilespmem:s25+$0x80]  }
0xbb: {  	v7 =	vld [tilespmem:s25+$0x100]  }
0xbc: {  	v8 =	vld [tilespmem:s25+$0xFFFFFE00];
	v0 =	vmul.f32 $1.131370830e+01, v0  }
0xbd: {  	v9 =	vld [tilespmem:s26+$0xFFFFFE00]  }
0xbe: {  	v10 =	vld [tilespmem:s26+$0xFFFFFE80];
	v0 =	vadd.f32 v2, v0  }
0xbf: {  	v2 =	vld [tilespmem:s25+$0x190]  }
0xc0: {  	v11 =	vld [tilespmem:s26+$0xFFFFFF00];
	[tilespmem:s25+$0x180] =	vst v0  }
0xc1: {  	v0 =	vld [tilespmem:s26+$0x190]  }
0xc2: {  	v12 =	vld [tilespmem:s26+$0xFFFFFF80];
	v8 =	vmul.f32 $1.131370830e+01, v8  }
0xc3: {  	v13 =	vld [tilespmem:s26+$0x0];
	v1 =	vmul.f32 $1.131370830e+01, v1  }
0xc4: {  	v8 =	vadd.f32 v9, v8;
	v9 =	vld [tilespmem:s26+$0x80];
	v2 =	vmul.f32 $1.131370830e+01, v2  }
0xc5: {  	v1 =	vadd.f32 v10, v1;
	v10 =	vld [tilespmem:s25+$0xFFFFFF90]  }
0xc6: {  	v3 =	vmul.f32 $1.131370830e+01, v3;
	[tilespmem:s25+$0xFFFFFE00] =	vst v8;
	v8 =	vld [tilespmem:s26+$0x100];
	v0 =	vadd.f32 v0, v2  }
0xc7: {  	v5 =	vmul.f32 $1.131370830e+01, v5;
	[tilespmem:s25+$0xFFFFFE80] =	vst v1;
	v2 =	vld [tilespmem:s25+$0x1A0]  }
0xc8: {  	v3 =	vadd.f32 v11, v3;
	v1 =	vld [tilespmem:s25+$0xFFFFFE10];
	[tilespmem:s25+$0x190] =	vst v0  }
0xc9: {  	v5 =	vadd.f32 v13, v5;
	v0 =	vmul.f32 $1.131370830e+01, v4;
	v4 =	vld [tilespmem:s26+$0x1A0]  }
0xca: {  	[tilespmem:s25+$0xFFFFFF00] =	vst v3;
	v3 =	vld [tilespmem:s25+$0xFFFFFE90]  }
0xcb: {  	[tilespmem:s25+$0x0] =	vst v5;
	v5 =	vld [tilespmem:s25+$0x1B0];
	v0 =	vadd.f32 v12, v0  }
0xcc: {  	v11 =	vld [tilespmem:s26+$0xFFFFFF10];
	v2 =	vmul.f32 $1.131370830e+01, v2  }
0xcd: {  	v6 =	vmul.f32 $1.131370830e+01, v6;
	v7 =	vmul.f32 $1.131370830e+01, v7;
	[tilespmem:s25+$0xFFFFFF80] =	vst v0;
	v0 =	vld [tilespmem:s25+$0xFFFFFF10]  }
0xce: {  	v51 =	vld [tilespmem:s26+$0xFFFFFF90];
	v2 =	vadd.f32 v4, v2  }
0xcf: {  	v4 =	vadd.f32 v9, v6;
	v6 =	vadd.f32 v8, v7;
	v7 =	vld [tilespmem:s25+$0x10]  }
0xd0: {  	v8 =	vld [tilespmem:s26+$0xFFFFFE10]  }
0xd1: {  	v9 =	vld [tilespmem:s26+$0xFFFFFE90];
	[tilespmem:s25+$0x1A0] =	vst v2  }
0xd2: {  	v10 =	vmul.f32 $1.131370830e+01, v10;
	[tilespmem:s25+$0x80] =	vst v4;
	v4 =	vld [tilespmem:s25+$0x90]  }
0xd3: {  	v1 =	vmul.f32 $1.131370830e+01, v1;
	[tilespmem:s25+$0x100] =	vst v6;
	v6 =	vld [tilespmem:s25+$0x110]  }
0xd4: {  	v2 =	vld [tilespmem:s26+$0x1B0];
	v0 =	vmul.f32 $1.131370830e+01, v0;
	v10 =	vadd.f32 v51, v10  }
0xd5: {  	v1 =	vadd.f32 v8, v1;
	v8 =	vld [tilespmem:s26+$0x10]  }
0xd6: {  	v0 =	vadd.f32 v11, v0;
	v11 =	vld [tilespmem:s25+$0xFFFFFEA0];
	[tilespmem:s25+$0xFFFFFF90] =	vst v10  }
0xd7: {  	v5 =	vmul.f32 $1.131370830e+01, v5;
	[tilespmem:s25+$0xFFFFFE10] =	vst v1;
	v1 =	vld [tilespmem:s26+$0x110]  }
0xd8: {  	v53 =	vld [tilespmem:s26+$0xFFFFFFA0]  }
0xd9: {  	v7 =	vmul.f32 $1.131370830e+01, v7;
	[tilespmem:s25+$0xFFFFFF10] =	vst v0;
	v2 =	vadd.f32 v2, v5;
	v5 =	vld [tilespmem:s25+$0x1C0]  }
0xda: {  	v52 =	vld [tilespmem:s26+$0xFFFFFF20]  }
0xdb: {  	v0 =	vadd.f32 v8, v7;
	v7 =	vld [tilespmem:s25+$0x1D0]  }
0xdc: {  	[tilespmem:s25+$0x1B0] =	vst v2;
	v2 =	vmul.f32 $1.131370830e+01, v3;
	v8 =	vld [tilespmem:s25+$0xFFFFFF20]  }
0xdd: {  	v6 =	vmul.f32 $1.131370830e+01, v6;
	v3 =	vld [tilespmem:s26+$0x1C0]  }
0xde: {  	v2 =	vadd.f32 v9, v2;
	v9 =	vld [tilespmem:s26+$0x90]  }
0xdf: {  	[tilespmem:s25+$0x10] =	vst v0;
	v0 =	vadd.f32 v1, v6;
	v1 =	vld [tilespmem:s25+$0xFFFFFFA0]  }
0xe0: {  	v6 =	vld [tilespmem:s25+$0x120]  }
0xe1: {  	[tilespmem:s25+$0xFFFFFE90] =	vst v2;
	v2 =	vld [tilespmem:s25+$0xFFFFFE20]  }
0xe2: {  	v4 =	vmul.f32 $1.131370830e+01, v4;
	v5 =	vmul.f32 $1.131370830e+01, v5;
	v10 =	vld [tilespmem:s26+$0xFFFFFEA0]  }
0xe3: {  	[tilespmem:s25+$0x110] =	vst v0;
	v0 =	vld [tilespmem:s25+$0xA0]  }
0xe4: {  	v3 =	vadd.f32 v3, v5;
	v5 =	vmul.f32 $1.131370830e+01, v11;
	v11 =	vld [tilespmem:s26+$0x20];
	v4 =	vadd.f32 v9, v4  }
0xe5: {  	v9 =	vld [tilespmem:s26+$0xFFFFFE20];
	v1 =	vmul.f32 $1.131370830e+01, v1  }
0xe6: {  	[tilespmem:s25+$0x90] =	vst v4;
	v4 =	vld [tilespmem:s25+$0x20]  }
0xe7: {  	[tilespmem:s25+$0x1C0] =	vst v3;
	v1 =	vadd.f32 v53, v1;
	v3 =	vadd.f32 v10, v5;
	v5 =	vld [tilespmem:s26+$0x120]  }
0xe8: {  	v2 =	vmul.f32 $1.131370830e+01, v2;
	v10 =	vld [tilespmem:s26+$0x1D0]  }
0xe9: {  	[tilespmem:s25+$0xFFFFFFA0] =	vst v1;
	v1 =	vld [tilespmem:s25+$0xFFFFFF30]  }
0xea: {  	v8 =	vmul.f32 $1.131370830e+01, v8;
	v2 =	vadd.f32 v9, v2;
	v9 =	vld [tilespmem:s26+$0xA0]  }
0xeb: {  	[tilespmem:s25+$0xFFFFFEA0] =	vst v3;
	v3 =	vld [tilespmem:s25+$0xFFFFFE30]  }
0xec: {  	v54 =	vld [tilespmem:s26+$0xFFFFFFB0];
	v4 =	vmul.f32 $1.131370830e+01, v4;
	[tilespmem:s25+$0xFFFFFE20] =	vst v2;
	v2 =	vadd.f32 v52, v8  }
0xed: {  	v0 =	vmul.f32 $1.131370830e+01, v0;
	v8 =	vld [tilespmem:s26+$0xFFFFFE30]  }
0xee: {  	[tilespmem:s25+$0xFFFFFF20] =	vst v2;
	v2 =	vadd.f32 v11, v4;
	v4 =	vld [tilespmem:s25+$0xFFFFFEB0]  }
0xef: {  	v6 =	vmul.f32 $1.131370830e+01, v6;
	v0 =	vadd.f32 v9, v0;
	v9 =	vld [tilespmem:s26+$0xFFFFFEB0]  }
0xf0: {  	v11 =	vld [tilespmem:s26+$0xFFFFFF30]  }
0xf1: {  	[tilespmem:s25+$0x20] =	vst v2;
	v2 =	vadd.f32 v5, v6;
	v5 =	vld [tilespmem:s25+$0xFFFFFFB0]  }
0xf2: {  	v6 =	vld [tilespmem:s25+$0x130]  }
0xf3: {  	v3 =	vmul.f32 $1.131370830e+01, v3;
	[tilespmem:s25+$0xA0] =	vst v0;
	v0 =	vld [tilespmem:s25+$0x30]  }
0xf4: {  	v55 =	vld [tilespmem:s26+$0x30]  }
0xf5: {  	[tilespmem:s25+$0x120] =	vst v2;
	v2 =	vld [tilespmem:s25+$0xB0];
	v3 =	vadd.f32 v8, v3  }
0xf6: {  	v1 =	vmul.f32 $1.131370830e+01, v1;
	v8 =	vld [tilespmem:s26+$0xB0]  }
0xf7: {  	v4 =	vmul.f32 $1.131370830e+01, v4;
	[tilespmem:s25+$0xFFFFFE30] =	vst v3;
	v3 =	vld [tilespmem:s25+$0x1E0]  }
0xf8: {  	v1 =	vadd.f32 v11, v1;
	v11 =	vld [tilespmem:s25+$0xFFFFFE40]  }
0xf9: {  	v5 =	vmul.f32 $1.131370830e+01, v5;
	v4 =	vadd.f32 v9, v4;
	v9 =	vld [tilespmem:s26+$0x130]  }
0xfa: {  	[tilespmem:s25+$0xFFFFFF30] =	vst v1;
	v1 =	vld [tilespmem:s25+$0xFFFFFF40]  }
0xfb: {  	v0 =	vmul.f32 $1.131370830e+01, v0;
	[tilespmem:s25+$0xFFFFFEB0] =	vst v4;
	v4 =	vadd.f32 v54, v5;
	v5 =	vmul.f32 $1.131370830e+01, v6;
	v6 =	vld [tilespmem:s25+$0xFFFFFEC0]  }
0xfc: {  	v2 =	vmul.f32 $1.131370830e+01, v2;
	v56 =	vld [tilespmem:s26+$0xFFFFFF40]  }
0xfd: {  	v0 =	vadd.f32 v55, v0;
	[tilespmem:s25+$0xFFFFFFB0] =	vst v4;
	v4 =	vld [tilespmem:s25+$0xFFFFFFC0]  }
0xfe: {  	v2 =	vadd.f32 v8, v2;
	v8 =	vld [tilespmem:s26+$0xFFFFFE40]  }
0xff: {  	[tilespmem:s25+$0x30] =	vst v0;
	v0 =	vadd.f32 v9, v5;
	v5 =	vld [tilespmem:s25+$0x40]  }
0x100: {  	v9 =	vld [tilespmem:s26+$0xFFFFFEC0]  }
0x101: {  	v7 =	vmul.f32 $1.131370830e+01, v7;
	v57 =	vld [tilespmem:s26+$0xFFFFFFC0]  }
0x102: {  	[tilespmem:s25+$0xB0] =	vst v2;
	v2 =	vld [tilespmem:s25+$0xC0]  }
0x103: {  	v7 =	vadd.f32 v10, v7;
	v10 =	vld [tilespmem:s26+$0x40]  }
0x104: {  	v11 =	vmul.f32 $1.131370830e+01, v11;
	[tilespmem:s25+$0x130] =	vst v0;
	v0 =	vld [tilespmem:s25+$0x140]  }
0x105: {  	[tilespmem:s25+$0x1D0] =	vst v7;
	v6 =	vmul.f32 $1.131370830e+01, v6;
	v7 =	vld [tilespmem:s26+$0x140]  }
0x106: {  	v1 =	vmul.f32 $1.131370830e+01, v1;
	v8 =	vadd.f32 v8, v11;
	v11 =	vld [tilespmem:s26+$0xC0]  }
0x107: {  	v4 =	vmul.f32 $1.131370830e+01, v4;
	v6 =	vadd.f32 v9, v6;
	v9 =	vld [tilespmem:s26+$0x1E0]  }
0x108: {  	v1 =	vadd.f32 v56, v1;
	v5 =	vmul.f32 $1.131370830e+01, v5;
	[tilespmem:s25+$0xFFFFFE40] =	vst v8;
	v8 =	vld [tilespmem:s25+$0xFFFFFE50]  }
0x109: {  	v4 =	vadd.f32 v57, v4;
	[tilespmem:s25+$0xFFFFFEC0] =	vst v6;
	v6 =	vld [tilespmem:s25+$0xFFFFFED0]  }
0x10a: {  	[tilespmem:s25+$0xFFFFFF40] =	vst v1;
	v1 =	vadd.f32 v10, v5;
	v5 =	vld [tilespmem:s25+$0xFFFFFF50]  }
0x10b: {  	[tilespmem:s25+$0xFFFFFFC0] =	vst v4;
	v4 =	vld [tilespmem:s25+$0xFFFFFFD0]  }
0x10c: {  	v0 =	vmul.f32 $1.131370830e+01, v0;
	v10 =	vld [tilespmem:s26+$0xFFFFFED0]  }
0x10d: {  	v2 =	vmul.f32 $1.131370830e+01, v2;
	[tilespmem:s25+$0x40] =	vst v1;
	v1 =	vld [tilespmem:s25+$0x50]  }
0x10e: {  	v0 =	vadd.f32 v7, v0;
	v7 =	vld [tilespmem:s26+$0xFFFFFE50]  }
0x10f: {  	v2 =	vadd.f32 v11, v2;
	v11 =	vld [tilespmem:s26+$0xFFFFFF50]  }
0x110: {  	v58 =	vld [tilespmem:s26+$0xFFFFFFD0]  }
0x111: {  	v59 =	vld [tilespmem:s26+$0x50]  }
0x112: {  	[tilespmem:s25+$0xC0] =	vst v2;
	v2 =	vld [tilespmem:s25+$0xD0];
	v8 =	vmul.f32 $1.131370830e+01, v8  }
0x113: {  	[tilespmem:s25+$0x140] =	vst v0;
	v0 =	vld [tilespmem:s25+$0x150];
	v6 =	vmul.f32 $1.131370830e+01, v6  }
0x114: {  	v5 =	vmul.f32 $1.131370830e+01, v5;
	v7 =	vadd.f32 v7, v8;
	v8 =	vld [tilespmem:s26+$0xD0]  }
0x115: {  	v6 =	vadd.f32 v10, v6;
	v10 =	vld [tilespmem:s26+$0x150]  }
0x116: {  	v4 =	vmul.f32 $1.131370830e+01, v4;
	v5 =	vadd.f32 v11, v5;
	v11 =	vld [tilespmem:s25+$0xFFFFFE60]  }
0x117: {  	[tilespmem:s25+$0xFFFFFE50] =	vst v7;
	v7 =	vld [tilespmem:s25+$0x1F0]  }
0x118: {  	v1 =	vmul.f32 $1.131370830e+01, v1;
	v4 =	vadd.f32 v58, v4;
	[tilespmem:s25+$0xFFFFFED0] =	vst v6;
	v6 =	vld [tilespmem:s25+$0xFFFFFEE0]  }
0x119: {  	[tilespmem:s25+$0xFFFFFF50] =	vst v5;
	v5 =	vld [tilespmem:s25+$0xFFFFFF60]  }
0x11a: {  	v1 =	vadd.f32 v59, v1;
	[tilespmem:s25+$0xFFFFFFD0] =	vst v4;
	v4 =	vld [tilespmem:s25+$0xFFFFFFE0]  }
0x11b: {  	v60 =	vld [tilespmem:s26+$0xFFFFFF60]  }
0x11c: {  	v2 =	vmul.f32 $1.131370830e+01, v2;
	[tilespmem:s25+$0x50] =	vst v1;
	v1 =	vld [tilespmem:s25+$0x60]  }
0x11d: {  	v0 =	vmul.f32 $1.131370830e+01, v0;
	v61 =	vld [tilespmem:s26+$0xFFFFFFE0]  }
0x11e: {  	v3 =	vmul.f32 $1.131370830e+01, v3;
	v2 =	vadd.f32 v8, v2;
	v8 =	vld [tilespmem:s26+$0xFFFFFE60]  }
0x11f: {  	v0 =	vadd.f32 v10, v0;
	v10 =	vld [tilespmem:s26+$0xFFFFFEE0]  }
0x120: {  	v3 =	vadd.f32 v9, v3;
	v9 =	vld [tilespmem:s26+$0x60]  }
0x121: {  	v11 =	vmul.f32 $1.131370830e+01, v11;
	[tilespmem:s25+$0xD0] =	vst v2;
	v2 =	vld [tilespmem:s25+$0xE0]  }
0x122: {  	[tilespmem:s25+$0x150] =	vst v0;
	v0 =	vld [tilespmem:s25+$0x160];
	v6 =	vmul.f32 $1.131370830e+01, v6;
	v5 =	vmul.f32 $1.131370830e+01, v5  }
0x123: {  	v8 =	vadd.f32 v8, v11;
	v11 =	vld [tilespmem:s26+$0xE0]  }
0x124: {  	[tilespmem:s25+$0x1E0] =	vst v3;
	v3 =	vmul.f32 $1.131370830e+01, v4;
	v5 =	vadd.f32 v60, v5;
	v4 =	vadd.f32 v10, v6;
	v6 =	vld [tilespmem:s26+$0x160]  }
0x125: {  	v1 =	vmul.f32 $1.131370830e+01, v1;
	v10 =	vld [tilespmem:s26+$0x1F0]  }
0x126: {  	[tilespmem:s25+$0xFFFFFF60] =	vst v5;
	v5 =	vld [tilespmem:s25+$0xFFFFFF70]  }
0x127: {  	v1 =	vadd.f32 v9, v1;
	v9 =	vld [tilespmem:s25+$0xF0]  }
0x128: {  	v3 =	vadd.f32 v61, v3;
	[tilespmem:s25+$0xFFFFFE60] =	vst v8;
	v8 =	vld [tilespmem:s25+$0xFFFFFE70]  }
0x129: {  	[tilespmem:s25+$0xFFFFFEE0] =	vst v4;
	v4 =	vld [tilespmem:s25+$0xFFFFFEF0]  }
0x12a: {  	[tilespmem:s25+$0xFFFFFFE0] =	vst v3;
	v3 =	vld [tilespmem:s25+$0xFFFFFFF0]  }
0x12b: {  	v2 =	vmul.f32 $1.131370830e+01, v2;
	v0 =	vmul.f32 $1.131370830e+01, v0;
	[tilespmem:s25+$0x60] =	vst v1;
	v1 =	vld [tilespmem:s25+$0x70]  }
0x12c: {  	v62 =	vld [tilespmem:s26+$0xFFFFFE70]  }
0x12d: {  	v2 =	vadd.f32 v11, v2;
	v0 =	vadd.f32 v6, v0;
	v11 =	vld [tilespmem:s25+$0x170]  }
0x12e: {  	v63 =	vld [tilespmem:s26+$0xFFFFFEF0]  }
0x12f: {  	[tilespmem:s25+$0x160] =	vst v0;
	v0 =	vmul.f32 $1.131370830e+01, v7;
	v7 =	vld [tilespmem:s26+$0xFFFFFF70]  }
0x130: {  	v14 =	vmul.f32 $1.131370830e+01, v8;
	v16 =	vmul.f32 $1.131370830e+01, v4;
	v4 =	vld [tilespmem:s26+$0xFFFFFFF0]  }
0x131: {  	v6 =	vmul.f32 $1.131370830e+01, v5;
	v5 =	vld [tilespmem:s26+$0x70];
	[tilespmem:s25+$0xE0] =	vst v2;
	v10 =	vadd.f32 v10, v0  }
0x132: {  	v2 =	vmul.f32 $1.131370830e+01, v1;
	v8 =	vld [tilespmem:s26+$0xF0];
	v1 =	vmul.f32 $1.131370830e+01, v11;
	v11 =	vadd.f32 v62, v14  }
0x133: {  	s28 =	simm.s32 $0x0;
	s29 =	simm.s32 $0x4800;
	v3 =	vmul.f32 $1.131370830e+01, v3;
	v0 =	vmul.f32 $1.131370830e+01, v9;
	v9 =	vld [tilespmem:s26+$0x170];
	[tilespmem:s25+$0x1F0] =	vst v10;
	v10 =	vadd.f32 v63, v16  }
.LBB2_2:
0x134: {  	v12 =	vld [tilespmem:s29+$0x180];
	s28 =	sadd.s32 $0x8, s28;
	[tilespmem:s25+$0xFFFFFE70] =	vst v11;
	v6 =	vadd.f32 v7, v6  }
0x135: {  	s26 =	sadd.s32 $0x400, s26;
	v7 =	vld [tilespmem:s29+$0xFFFFFE80];
	p0 =	slt.u32 s28, $0x78;
	[tilespmem:s25+$0xFFFFFEF0] =	vst v10;
	v3 =	vadd.f32 v4, v3  }
0x136: {  	v4 =	vld [tilespmem:s26+$0x180];
	[tilespmem:s25+$0xFFFFFF70] =	vst v6;
	v2 =	vadd.f32 v5, v2  }
0x137: {  	v5 =	vld [tilespmem:s29+$0xFFFFFF00];
	[tilespmem:s25+$0xFFFFFFF0] =	vst v3;
	v0 =	vadd.f32 v8, v0  }
0x138: {  	v3 =	vld [tilespmem:s29+$0xFFFFFF80];
	[tilespmem:s25+$0x70] =	vst v2;
	v1 =	vadd.f32 v9, v1  }
0x139: {  	v2 =	vld [tilespmem:s29+$0x0];
	v6 =	vmul.f32 $1.131370830e+01, v12;
	[tilespmem:s25+$0xF0] =	vst v0  }
0x13a: {  	v0 =	vmul.f32 $1.131370830e+01, v7;
	v7 =	vld [tilespmem:s29+$0x80];
	[tilespmem:s25+$0x170] =	vst v1;
	s25 =	smov.u32 s29  }
0x13b: {  	v1 =	vld [tilespmem:s29+$0x100];
	v4 =	vadd.f32 v4, v6  }
0x13c: {  	v5 =	vmul.f32 $1.131370830e+01, v5;
	v6 =	vld [tilespmem:s29+$0x190]  }
0x13d: {  	v8 =	vld [tilespmem:s29+$0xFFFFFE00];
	v3 =	vmul.f32 $1.131370830e+01, v3;
	[tilespmem:s29+$0x180] =	vst v4  }
0x13e: {  	v2 =	vmul.f32 $1.131370830e+01, v2;
	v4 =	vld [tilespmem:s26+$0x190]  }
0x13f: {  	v9 =	vld [tilespmem:s26+$0xFFFFFE00];
	v7 =	vmul.f32 $1.131370830e+01, v7  }
0x140: {  	v10 =	vld [tilespmem:s26+$0xFFFFFE80];
	v1 =	vmul.f32 $1.131370830e+01, v1  }
0x141: {  	v11 =	vld [tilespmem:s26+$0xFFFFFF00];
	v6 =	vmul.f32 $1.131370830e+01, v6  }
0x142: {  	v8 =	vmul.f32 $1.131370830e+01, v8;
	v12 =	vld [tilespmem:s26+$0xFFFFFF80]  }
0x143: {  	v13 =	vld [tilespmem:s26+$0x0];
	v4 =	vadd.f32 v4, v6  }
0x144: {  	v6 =	vadd.f32 v9, v8;
	v8 =	vld [tilespmem:s29+$0x1A0]  }
0x145: {  	v0 =	vadd.f32 v10, v0;
	v9 =	vld [tilespmem:s26+$0x80];
	[tilespmem:s29+$0x190] =	vst v4  }
0x146: {  	[tilespmem:s29+$0xFFFFFE00] =	vst v6;
	v4 =	vadd.f32 v11, v5;
	v5 =	vld [tilespmem:s26+$0x1A0]  }
0x147: {  	[tilespmem:s29+$0xFFFFFE80] =	vst v0;
	v0 =	vadd.f32 v12, v3;
	v3 =	vld [tilespmem:s26+$0x100]  }
0x148: {  	v6 =	vld [tilespmem:s29+$0xFFFFFE10];
	[tilespmem:s29+$0xFFFFFF00] =	vst v4;
	v2 =	vadd.f32 v13, v2  }
0x149: {  	v4 =	vld [tilespmem:s29+$0xFFFFFE90];
	[tilespmem:s29+$0xFFFFFF80] =	vst v0;
	v0 =	vmul.f32 $1.131370830e+01, v8  }
0x14a: {  	v8 =	vld [tilespmem:s29+$0xFFFFFF10];
	[tilespmem:s29+$0x0] =	vst v2;
	v2 =	vadd.f32 v9, v7  }
0x14b: {  	v7 =	vld [tilespmem:s29+$0xFFFFFF90];
	v0 =	vadd.f32 v5, v0  }
0x14c: {  	[tilespmem:s29+$0x80] =	vst v2;
	v1 =	vadd.f32 v3, v1;
	v2 =	vld [tilespmem:s29+$0x1B0]  }
0x14d: {  	v3 =	vmul.f32 $1.131370830e+01, v6;
	v5 =	vld [tilespmem:s29+$0x10];
	[tilespmem:s29+$0x1A0] =	vst v0  }
0x14e: {  	v0 =	vmul.f32 $1.131370830e+01, v4;
	[tilespmem:s29+$0x100] =	vst v1;
	v1 =	vld [tilespmem:s26+$0x1B0]  }
0x14f: {  	v4 =	vmul.f32 $1.131370830e+01, v8;
	v6 =	vld [tilespmem:s29+$0x90]  }
0x150: {  	v7 =	vmul.f32 $1.131370830e+01, v7;
	v8 =	vld [tilespmem:s29+$0x110]  }
0x151: {  	v9 =	vld [tilespmem:s26+$0xFFFFFE10];
	v2 =	vmul.f32 $1.131370830e+01, v2  }
0x152: {  	v10 =	vld [tilespmem:s26+$0xFFFFFE90];
	v5 =	vmul.f32 $1.131370830e+01, v5  }
0x153: {  	v11 =	vld [tilespmem:s26+$0xFFFFFF10];
	v1 =	vadd.f32 v1, v2  }
0x154: {  	v2 =	vmul.f32 $1.131370830e+01, v6;
	v6 =	vld [tilespmem:s29+$0x1C0]  }
0x155: {  	v12 =	vld [tilespmem:s26+$0xFFFFFF90];
	v8 =	vmul.f32 $1.131370830e+01, v8;
	[tilespmem:s29+$0x1B0] =	vst v1  }
0x156: {  	v1 =	vadd.f32 v9, v3;
	v3 =	vld [tilespmem:s26+$0x1C0]  }
0x157: {  	v0 =	vadd.f32 v10, v0;
	v9 =	vld [tilespmem:s26+$0x10]  }
0x158: {  	[tilespmem:s29+$0xFFFFFE10] =	vst v1;
	v1 =	vadd.f32 v11, v4;
	v4 =	vld [tilespmem:s26+$0x90]  }
0x159: {  	[tilespmem:s29+$0xFFFFFE90] =	vst v0;
	v0 =	vld [tilespmem:s26+$0x110];
	v6 =	vmul.f32 $1.131370830e+01, v6  }
0x15a: {  	v10 =	vld [tilespmem:s29+$0xFFFFFE20];
	[tilespmem:s29+$0xFFFFFF10] =	vst v1;
	v1 =	vadd.f32 v12, v7  }
0x15b: {  	v7 =	vld [tilespmem:s29+$0xFFFFFEA0];
	v3 =	vadd.f32 v3, v6  }
0x15c: {  	[tilespmem:s29+$0xFFFFFF90] =	vst v1;
	v1 =	vadd.f32 v9, v5;
	v5 =	vld [tilespmem:s29+$0x1D0]  }
0x15d: {  	v6 =	vld [tilespmem:s29+$0xFFFFFF20];
	v2 =	vadd.f32 v4, v2;
	[tilespmem:s29+$0x1C0] =	vst v3  }
0x15e: {  	[tilespmem:s29+$0x10] =	vst v1;
	v0 =	vadd.f32 v0, v8;
	v1 =	vld [tilespmem:s26+$0x1D0]  }
0x15f: {  	v3 =	vmul.f32 $1.131370830e+01, v10;
	v4 =	vld [tilespmem:s29+$0xFFFFFFA0];
	[tilespmem:s29+$0x90] =	vst v2  }
0x160: {  	v2 =	vmul.f32 $1.131370830e+01, v7;
	v7 =	vld [tilespmem:s29+$0x20];
	[tilespmem:s29+$0x110] =	vst v0  }
0x161: {  	v0 =	vld [tilespmem:s29+$0xA0];
	v5 =	vmul.f32 $1.131370830e+01, v5  }
0x162: {  	v6 =	vmul.f32 $1.131370830e+01, v6;
	v8 =	vld [tilespmem:s29+$0x120]  }
0x163: {  	v9 =	vld [tilespmem:s26+$0xFFFFFE20];
	v1 =	vadd.f32 v1, v5  }
0x164: {  	v4 =	vmul.f32 $1.131370830e+01, v4;
	v5 =	vld [tilespmem:s29+$0x1E0]  }
0x165: {  	v10 =	vld [tilespmem:s26+$0xFFFFFEA0];
	v7 =	vmul.f32 $1.131370830e+01, v7;
	[tilespmem:s29+$0x1D0] =	vst v1  }
0x166: {  	v0 =	vmul.f32 $1.131370830e+01, v0;
	v1 =	vld [tilespmem:s26+$0x1E0]  }
0x167: {  	v11 =	vld [tilespmem:s26+$0xFFFFFF20];
	v8 =	vmul.f32 $1.131370830e+01, v8  }
0x168: {  	v3 =	vadd.f32 v9, v3;
	v9 =	vld [tilespmem:s26+$0xFFFFFFA0]  }
0x169: {  	v12 =	vld [tilespmem:s26+$0x20];
	v5 =	vmul.f32 $1.131370830e+01, v5  }
0x16a: {  	[tilespmem:s29+$0xFFFFFE20] =	vst v3;
	v2 =	vadd.f32 v10, v2;
	v3 =	vld [tilespmem:s26+$0xA0]  }
0x16b: {  	v10 =	vld [tilespmem:s26+$0x120];
	v1 =	vadd.f32 v1, v5  }
0x16c: {  	[tilespmem:s29+$0xFFFFFEA0] =	vst v2;
	v2 =	vadd.f32 v11, v6;
	v5 =	vld [tilespmem:s29+$0x1F0]  }
0x16d: {  	v6 =	vld [tilespmem:s29+$0xFFFFFE30];
	v4 =	vadd.f32 v9, v4;
	[tilespmem:s29+$0x1E0] =	vst v1  }
0x16e: {  	[tilespmem:s29+$0xFFFFFF20] =	vst v2;
	v1 =	vadd.f32 v12, v7;
	v2 =	vld [tilespmem:s26+$0x1F0]  }
0x16f: {  	v7 =	vld [tilespmem:s29+$0xFFFFFEB0];
	[tilespmem:s29+$0xFFFFFFA0] =	vst v4;
	v0 =	vadd.f32 v3, v0  }
0x170: {  	v3 =	vld [tilespmem:s29+$0xFFFFFF30];
	[tilespmem:s29+$0x20] =	vst v1;
	v1 =	vadd.f32 v10, v8  }
0x171: {  	v4 =	vld [tilespmem:s29+$0xFFFFFFB0];
	[tilespmem:s29+$0xA0] =	vst v0;
	v0 =	vmul.f32 $1.131370830e+01, v5  }
0x172: {  	v5 =	vmul.f32 $1.131370830e+01, v6;
	v6 =	vld [tilespmem:s29+$0x30];
	[tilespmem:s29+$0x120] =	vst v1  }
0x173: {  	v1 =	vld [tilespmem:s29+$0xB0];
	v0 =	vadd.f32 v2, v0  }
0x174: {  	v2 =	vmul.f32 $1.131370830e+01, v7;
	v7 =	vld [tilespmem:s29+$0x130]  }
0x175: {  	v8 =	vld [tilespmem:s26+$0xFFFFFE30];
	v3 =	vmul.f32 $1.131370830e+01, v3;
	[tilespmem:s29+$0x1F0] =	vst v0  }
0x176: {  	v0 =	vld [tilespmem:s26+$0xFFFFFEB0];
	v4 =	vmul.f32 $1.131370830e+01, v4  }
0x177: {  	v9 =	vld [tilespmem:s26+$0xFFFFFF30];
	v6 =	vmul.f32 $1.131370830e+01, v6  }
0x178: {  	v10 =	vld [tilespmem:s26+$0xFFFFFFB0];
	v1 =	vmul.f32 $1.131370830e+01, v1  }
0x179: {  	v11 =	vld [tilespmem:s26+$0x30];
	v7 =	vmul.f32 $1.131370830e+01, v7  }
0x17a: {  	v5 =	vadd.f32 v8, v5;
	v8 =	vld [tilespmem:s26+$0xB0]  }
0x17b: {  	v0 =	vadd.f32 v0, v2;
	v2 =	vld [tilespmem:s26+$0x130]  }
0x17c: {  	[tilespmem:s29+$0xFFFFFE30] =	vst v5;
	v5 =	vld [tilespmem:s29+$0xFFFFFE40];
	v3 =	vadd.f32 v9, v3  }
0x17d: {  	[tilespmem:s29+$0xFFFFFEB0] =	vst v0;
	v0 =	vld [tilespmem:s29+$0xFFFFFEC0];
	v4 =	vadd.f32 v10, v4  }
0x17e: {  	[tilespmem:s29+$0xFFFFFF30] =	vst v3;
	v3 =	vld [tilespmem:s29+$0xFFFFFF40];
	v6 =	vadd.f32 v11, v6  }
0x17f: {  	[tilespmem:s29+$0xFFFFFFB0] =	vst v4;
	v4 =	vld [tilespmem:s29+$0xFFFFFFC0];
	v1 =	vadd.f32 v8, v1  }
0x180: {  	[tilespmem:s29+$0x30] =	vst v6;
	v6 =	vld [tilespmem:s29+$0x40];
	v2 =	vadd.f32 v2, v7  }
0x181: {  	v5 =	vmul.f32 $1.131370830e+01, v5;
	[tilespmem:s29+$0xB0] =	vst v1;
	v1 =	vld [tilespmem:s29+$0xC0]  }
0x182: {  	v0 =	vmul.f32 $1.131370830e+01, v0;
	[tilespmem:s29+$0x130] =	vst v2;
	v2 =	vld [tilespmem:s29+$0x140]  }
0x183: {  	v7 =	vld [tilespmem:s26+$0xFFFFFE40];
	v3 =	vmul.f32 $1.131370830e+01, v3  }
0x184: {  	v8 =	vld [tilespmem:s26+$0xFFFFFEC0];
	v4 =	vmul.f32 $1.131370830e+01, v4  }
0x185: {  	v9 =	vld [tilespmem:s26+$0xFFFFFF40];
	v6 =	vmul.f32 $1.131370830e+01, v6  }
0x186: {  	v10 =	vld [tilespmem:s26+$0xFFFFFFC0];
	v1 =	vmul.f32 $1.131370830e+01, v1  }
0x187: {  	v11 =	vld [tilespmem:s26+$0x40];
	v2 =	vmul.f32 $1.131370830e+01, v2  }
0x188: {  	v5 =	vadd.f32 v7, v5;
	v7 =	vld [tilespmem:s26+$0xC0]  }
0x189: {  	v0 =	vadd.f32 v8, v0;
	v8 =	vld [tilespmem:s26+$0x140]  }
0x18a: {  	[tilespmem:s29+$0xFFFFFE40] =	vst v5;
	v5 =	vld [tilespmem:s29+$0xFFFFFE50];
	v3 =	vadd.f32 v9, v3  }
0x18b: {  	[tilespmem:s29+$0xFFFFFEC0] =	vst v0;
	v0 =	vld [tilespmem:s29+$0xFFFFFED0];
	v4 =	vadd.f32 v10, v4  }
0x18c: {  	[tilespmem:s29+$0xFFFFFF40] =	vst v3;
	v3 =	vld [tilespmem:s29+$0xFFFFFF50];
	v6 =	vadd.f32 v11, v6  }
0x18d: {  	[tilespmem:s29+$0xFFFFFFC0] =	vst v4;
	v4 =	vld [tilespmem:s29+$0xFFFFFFD0];
	v1 =	vadd.f32 v7, v1  }
0x18e: {  	[tilespmem:s29+$0x40] =	vst v6;
	v6 =	vld [tilespmem:s29+$0x50];
	v2 =	vadd.f32 v8, v2  }
0x18f: {  	v5 =	vmul.f32 $1.131370830e+01, v5;
	[tilespmem:s29+$0xC0] =	vst v1;
	v1 =	vld [tilespmem:s29+$0xD0]  }
0x190: {  	v0 =	vmul.f32 $1.131370830e+01, v0;
	[tilespmem:s29+$0x140] =	vst v2;
	v2 =	vld [tilespmem:s29+$0x150]  }
0x191: {  	v7 =	vld [tilespmem:s26+$0xFFFFFE50];
	v3 =	vmul.f32 $1.131370830e+01, v3  }
0x192: {  	v8 =	vld [tilespmem:s26+$0xFFFFFED0];
	v4 =	vmul.f32 $1.131370830e+01, v4  }
0x193: {  	v9 =	vld [tilespmem:s26+$0xFFFFFF50];
	v6 =	vmul.f32 $1.131370830e+01, v6  }
0x194: {  	v10 =	vld [tilespmem:s26+$0xFFFFFFD0];
	v1 =	vmul.f32 $1.131370830e+01, v1  }
0x195: {  	v11 =	vld [tilespmem:s26+$0x50];
	v2 =	vmul.f32 $1.131370830e+01, v2  }
0x196: {  	v5 =	vadd.f32 v7, v5;
	v7 =	vld [tilespmem:s26+$0xD0]  }
0x197: {  	v0 =	vadd.f32 v8, v0;
	v8 =	vld [tilespmem:s26+$0x150]  }
0x198: {  	[tilespmem:s29+$0xFFFFFE50] =	vst v5;
	v5 =	vld [tilespmem:s29+$0xFFFFFE60];
	v3 =	vadd.f32 v9, v3  }
0x199: {  	[tilespmem:s29+$0xFFFFFED0] =	vst v0;
	v0 =	vld [tilespmem:s29+$0xFFFFFEE0];
	v4 =	vadd.f32 v10, v4  }
0x19a: {  	[tilespmem:s29+$0xFFFFFF50] =	vst v3;
	v3 =	vld [tilespmem:s29+$0xFFFFFF60];
	v6 =	vadd.f32 v11, v6  }
0x19b: {  	[tilespmem:s29+$0xFFFFFFD0] =	vst v4;
	v4 =	vld [tilespmem:s29+$0xFFFFFFE0];
	v1 =	vadd.f32 v7, v1  }
0x19c: {  	[tilespmem:s29+$0x50] =	vst v6;
	v6 =	vld [tilespmem:s29+$0x60];
	v2 =	vadd.f32 v8, v2  }
0x19d: {  	v5 =	vmul.f32 $1.131370830e+01, v5;
	[tilespmem:s29+$0xD0] =	vst v1;
	v1 =	vld [tilespmem:s29+$0xE0]  }
0x19e: {  	v0 =	vmul.f32 $1.131370830e+01, v0;
	[tilespmem:s29+$0x150] =	vst v2;
	v2 =	vld [tilespmem:s29+$0x160]  }
0x19f: {  	v7 =	vld [tilespmem:s26+$0xFFFFFE60];
	v3 =	vmul.f32 $1.131370830e+01, v3  }
0x1a0: {  	v8 =	vld [tilespmem:s26+$0xFFFFFEE0];
	v4 =	vmul.f32 $1.131370830e+01, v4  }
0x1a1: {  	v9 =	vld [tilespmem:s26+$0xFFFFFF60];
	v6 =	vmul.f32 $1.131370830e+01, v6  }
0x1a2: {  	v10 =	vld [tilespmem:s26+$0xFFFFFFE0];
	v1 =	vmul.f32 $1.131370830e+01, v1  }
0x1a3: {  	v11 =	vld [tilespmem:s26+$0x60];
	v2 =	vmul.f32 $1.131370830e+01, v2  }
0x1a4: {  	v5 =	vadd.f32 v7, v5;
	v7 =	vld [tilespmem:s26+$0xE0]  }
0x1a5: {  	v0 =	vadd.f32 v8, v0;
	v8 =	vld [tilespmem:s26+$0x160]  }
0x1a6: {  	[tilespmem:s29+$0xFFFFFE60] =	vst v5;
	v5 =	vld [tilespmem:s29+$0xFFFFFE70];
	v3 =	vadd.f32 v9, v3  }
0x1a7: {  	[tilespmem:s29+$0xFFFFFEE0] =	vst v0;
	v0 =	vld [tilespmem:s29+$0xFFFFFEF0];
	v4 =	vadd.f32 v10, v4  }
0x1a8: {  	[tilespmem:s29+$0xFFFFFF60] =	vst v3;
	v3 =	vld [tilespmem:s29+$0xFFFFFF70];
	v6 =	vadd.f32 v11, v6  }
0x1a9: {  	[tilespmem:s29+$0xFFFFFFE0] =	vst v4;
	v4 =	vld [tilespmem:s29+$0xFFFFFFF0];
	v1 =	vadd.f32 v7, v1  }
0x1aa: {  	[tilespmem:s29+$0x60] =	vst v6;
	v9 =	vld [tilespmem:s29+$0x70];
	v2 =	vadd.f32 v8, v2  }
0x1ab: {  	v8 =	vmul.f32 $1.131370830e+01, v5;
	[tilespmem:s29+$0xE0] =	vst v1;
	v1 =	vld [tilespmem:s29+$0xF0]  }
0x1ac: {  	v10 =	vmul.f32 $1.131370830e+01, v0;
	[tilespmem:s29+$0x160] =	vst v2;
	v11 =	vld [tilespmem:s29+$0x170]  }
0x1ad: {  	v12 =	vld [tilespmem:s26+$0xFFFFFE70];
	v6 =	vmul.f32 $1.131370830e+01, v3  }
0x1ae: {  	v13 =	vld [tilespmem:s26+$0xFFFFFEF0];
	v3 =	vmul.f32 $1.131370830e+01, v4  }
.Ltmp0:
0x1af: {  	v7 =	vld [tilespmem:s26+$0xFFFFFF70];
	v2 =	vmul.f32 $1.131370830e+01, v9;
	(pc) =	sbr.rel @p0 .LBB2_2-.Ltmp0, $4  }
0x1b0: {  	v4 =	vld [tilespmem:s26+$0xFFFFFFF0];
	v0 =	vmul.f32 $1.131370830e+01, v1  }
0x1b1: {  	v5 =	vld [tilespmem:s26+$0x70];
	v1 =	vmul.f32 $1.131370830e+01, v11  }
0x1b2: {  	v11 =	vadd.f32 v12, v8;
	v8 =	vld [tilespmem:s26+$0xF0]  }
0x1b3: {  	s29 =	sadd.s32 $0x400, s29;
	v10 =	vadd.f32 v13, v10;
	v9 =	vld [tilespmem:s26+$0x170]  }
0x1b4: {  	[tilespmem:s25+$0xFFFFFE70] =	vst v11;
	v6 =	vadd.f32 v7, v6  }
0x1b5: {  	[tilespmem:s25+$0xFFFFFEF0] =	vst v10;
	v3 =	vadd.f32 v4, v3  }
0x1b6: {  	[tilespmem:s25+$0xFFFFFF70] =	vst v6;
	v2 =	vadd.f32 v5, v2  }
0x1b7: {  	[tilespmem:s25+$0xFFFFFFF0] =	vst v3;
	v0 =	vadd.f32 v8, v0  }
0x1b8: {  	[tilespmem:s25+$0x70] =	vst v2;
	v1 =	vadd.f32 v9, v1  }
0x1b9: {  	[tilespmem:s25+$0xF0] =	vst v0  }
0x1ba: {  	s31 =	simm.s32 $0x0;
	[tilespmem:s25+$0x170] =	vst v1  }
0x1bb: {  	[hbm4b:s6+s31] =	stream.linear.scatter [tilespmem:s14], [sflag:$0x3], $0x4000, $0x38;
	[tilespmem:$0x14200] =	vst v63  }
0x1bc: {  	_ =	swait.ge [sflag:s22], $0x4000  }
0x1bd: {  	[sflag:s22] =	ssyncset.done $0x0  }
0x1be: {  	[sflag:s22] =	ssyncadd.s32 $0xFFFFC000  }
0x1bf: {  	_ =	swait.ge [sflag:s22], $0x4000  }
0x1c0: {  	[sflag:s22] =	ssyncset.done $0x0  }
0x1c1: {  	s25 =	simm.s32 $0x0;
	[sflag:s22] =	ssyncadd.s32 $0xFFFFC000  }
0x1c2: {  	v2 =	vld [tilespmem:s25+$0x85F0]  }
0x1c3: {  	v14 =	vld [tilespmem:s25+$0x8200]  }
0x1c4: {  	v21 =	vld [tilespmem:s25+$0x105F0]  }
0x1c5: {  	v38 =	vld [tilespmem:s25+$0x8210]  }
0x1c6: {  	v39 =	vld [tilespmem:s25+$0x8220]  }
0x1c7: {  	v40 =	vld [tilespmem:s25+$0x8230]  }
0x1c8: {  	v41 =	vld [tilespmem:s25+$0x8240]  }
0x1c9: {  	v42 =	vld [tilespmem:s25+$0x8250]  }
0x1ca: {  	v43 =	vld [tilespmem:s25+$0x8260]  }
0x1cb: {  	v44 =	vld [tilespmem:s25+$0x8270]  }
0x1cc: {  	v45 =	vld [tilespmem:s25+$0x8280]  }
0x1cd: {  	v46 =	vld [tilespmem:s25+$0x8290]  }
0x1ce: {  	v47 =	vld [tilespmem:s25+$0x82A0]  }
0x1cf: {  	v48 =	vld [tilespmem:s25+$0x82B0]  }
0x1d0: {  	v49 =	vld [tilespmem:s25+$0x82C0]  }
0x1d1: {  	v50 =	vld [tilespmem:s25+$0x82D0]  }
0x1d2: {  	v51 =	vld [tilespmem:s25+$0x82E0]  }
0x1d3: {  	v52 =	vld [tilespmem:s25+$0x82F0]  }
0x1d4: {  	v53 =	vld [tilespmem:s25+$0x8300]  }
0x1d5: {  	v54 =	vld [tilespmem:s25+$0x8310]  }
0x1d6: {  	v55 =	vld [tilespmem:s25+$0x8320]  }
0x1d7: {  	v56 =	vld [tilespmem:s25+$0x8330]  }
0x1d8: {  	v57 =	vld [tilespmem:s25+$0x8340]  }
0x1d9: {  	v37 =	vld [tilespmem:s25+$0x8350]  }
0x1da: {  	v36 =	vld [tilespmem:s25+$0x8360]  }
0x1db: {  	v35 =	vld [tilespmem:s25+$0x8370]  }
0x1dc: {  	v58 =	vld [tilespmem:s25+$0x8380]  }
0x1dd: {  	v34 =	vld [tilespmem:s25+$0x8390]  }
0x1de: {  	v33 =	vld [tilespmem:s25+$0x83A0]  }
0x1df: {  	v32 =	vld [tilespmem:s25+$0x83B0]  }
0x1e0: {  	v30 =	vld [tilespmem:s25+$0x83C0]  }
0x1e1: {  	v29 =	vld [tilespmem:s25+$0x83D0]  }
0x1e2: {  	v28 =	vld [tilespmem:s25+$0x83E0]  }
0x1e3: {  	v27 =	vld [tilespmem:s25+$0x83F0]  }
0x1e4: {  	v31 =	vld [tilespmem:s25+$0x8400]  }
0x1e5: {  	v26 =	vld [tilespmem:s25+$0x8410]  }
0x1e6: {  	v13 =	vld [tilespmem:s25+$0x8420]  }
0x1e7: {  	v12 =	vld [tilespmem:s25+$0x8430]  }
0x1e8: {  	v11 =	vld [tilespmem:s25+$0x8440]  }
0x1e9: {  	v10 =	vld [tilespmem:s25+$0x8450]  }
0x1ea: {  	v8 =	vld [tilespmem:s25+$0x8460]  }
0x1eb: {  	v7 =	vld [tilespmem:s25+$0x8470]  }
0x1ec: {  	v9 =	vld [tilespmem:s25+$0x8480]  }
0x1ed: {  	v6 =	vld [tilespmem:s25+$0x8490]  }
0x1ee: {  	v5 =	vld [tilespmem:s25+$0x84A0]  }
0x1ef: {  	v4 =	vld [tilespmem:s25+$0x84B0]  }
0x1f0: {  	v16 =	vld [tilespmem:s25+$0x84C0]  }
0x1f1: {  	v17 =	vld [tilespmem:s25+$0x84D0]  }
0x1f2: {  	v18 =	vld [tilespmem:s25+$0x84E0]  }
0x1f3: {  	v24 =	vld [tilespmem:s25+$0x84F0]  }
0x1f4: {  	v0 =	vld [tilespmem:s25+$0x8550]  }
0x1f5: {  	v25 =	vld [tilespmem:s25+$0x8500]  }
0x1f6: {  	v23 =	vld [tilespmem:s25+$0x8510]  }
0x1f7: {  	v22 =	vld [tilespmem:s25+$0x8520]  }
0x1f8: {  	v20 =	vld [tilespmem:s25+$0x8530]  }
0x1f9: {  	v19 =	vld [tilespmem:s25+$0x8540];
	[tilespmem:$0x1FED0] =	vst v0  }
0x1fa: {  	v0 =	vld [tilespmem:s25+$0x8560];
	_ =	sdelay $0x4  }
0x1fb: {  	[tilespmem:$0x1FEE0] =	vst v0  }
0x1fc: {  	v0 =	vld [tilespmem:s25+$0x8570];
	_ =	sdelay $0x4  }
0x1fd: {  	[tilespmem:$0x1FEF0] =	vst v0  }
0x1fe: {  	v59 =	vld [tilespmem:s25+$0x10200]  }
0x1ff: {  	v60 =	vld [tilespmem:s25+$0x10210]  }
0x200: {  	v2 =	vmul.f32 $1.131370830e+01, v2;
	v61 =	vld [tilespmem:s25+$0x10220]  }
0x201: {  	v62 =	vld [tilespmem:s25+$0x10230]  }
0x202: {  	v2 =	vadd.f32 v21, v2;
	v63 =	vld [tilespmem:s25+$0x10240]  }
0x203: {  	v15 =	vld [tilespmem:s25+$0x10260]  }
0x204: {  	[tilespmem:s25+$0x85F0] =	vst v2;
	v2 =	vld [tilespmem:s25+$0x10280]  }
0x205: {  	v14 =	vmul.f32 $1.131370830e+01, v14;
	v21 =	vld [tilespmem:s25+$0x8580]  }
0x206: {  	v38 =	vmul.f32 $1.131370830e+01, v38;
	v0 =	vld [tilespmem:s25+$0x10290]  }
0x207: {  	v45 =	vmul.f32 $1.131370830e+01, v45;
	v1 =	vld [tilespmem:s25+$0x102A0];
	v14 =	vadd.f32 v59, v14  }
0x208: {  	v39 =	vmul.f32 $1.131370830e+01, v39;
	v3 =	vld [tilespmem:s25+$0x102B0];
	v38 =	vadd.f32 v60, v38  }
0x209: {  	v40 =	vmul.f32 $1.131370830e+01, v40;
	v59 =	vld [tilespmem:s25+$0x10250];
	v2 =	vadd.f32 v2, v45;
	[tilespmem:s25+$0x8200] =	vst v14  }
0x20a: {  	v46 =	vmul.f32 $1.131370830e+01, v46;
	v60 =	vld [tilespmem:s25+$0x102C0];
	v39 =	vadd.f32 v61, v39;
	[tilespmem:s25+$0x8210] =	vst v38  }
0x20b: {  	v45 =	vld [tilespmem:s25+$0x102D0];
	v61 =	vmul.f32 $1.131370830e+01, v41;
	v40 =	vadd.f32 v62, v40;
	[tilespmem:s25+$0x8280] =	vst v2  }
0x20c: {  	v41 =	vld [tilespmem:s25+$0x102E0];
	v62 =	vmul.f32 $1.131370830e+01, v43;
	v0 =	vadd.f32 v0, v46;
	[tilespmem:s25+$0x8220] =	vst v39  }
0x20d: {  	v42 =	vmul.f32 $1.131370830e+01, v42;
	v14 =	vld [tilespmem:s25+$0x10270];
	v38 =	vadd.f32 v63, v61;
	[tilespmem:s25+$0x8230] =	vst v40  }
0x20e: {  	v43 =	vld [tilespmem:s25+$0x102F0];
	v15 =	vadd.f32 v15, v62;
	[tilespmem:s25+$0x8290] =	vst v0;
	v0 =	vmul.f32 $1.131370830e+01, v49  }
0x20f: {  	v51 =	vmul.f32 $1.131370830e+01, v51;
	v63 =	vmul.f32 $1.131370830e+01, v44;
	v44 =	vld [tilespmem:s25+$0x10300];
	[tilespmem:s25+$0x8240] =	vst v38;
	v42 =	vadd.f32 v59, v42  }
0x210: {  	v2 =	vld [tilespmem:s25+$0x8590];
	[tilespmem:s25+$0x8260] =	vst v15;
	v0 =	vadd.f32 v60, v0  }
0x211: {  	v39 =	vld [tilespmem:s25+$0x10310];
	v59 =	vmul.f32 $1.131370830e+01, v47;
	v41 =	vadd.f32 v41, v51;
	[tilespmem:s25+$0x8250] =	vst v42  }
0x212: {  	v61 =	vld [tilespmem:s25+$0x10320];
	v15 =	vmul.f32 $1.131370830e+01, v53;
	v14 =	vadd.f32 v14, v63;
	[tilespmem:s25+$0x82C0] =	vst v0  }
0x213: {  	v60 =	vld [tilespmem:s25+$0x103C0];
	v63 =	vmul.f32 $1.131370830e+01, v48;
	v1 =	vadd.f32 v1, v59;
	[tilespmem:s25+$0x82E0] =	vst v41  }
0x214: {  	v50 =	vmul.f32 $1.131370830e+01, v50;
	v62 =	vld [tilespmem:s25+$0x10330];
	v15 =	vadd.f32 v44, v15;
	[tilespmem:s25+$0x8270] =	vst v14  }
0x215: {  	v49 =	vld [tilespmem:s25+$0x10350];
	v0 =	vmul.f32 $1.131370830e+01, v54;
	v3 =	vadd.f32 v3, v63;
	[tilespmem:s25+$0x82A0] =	vst v1  }
0x216: {  	v30 =	vmul.f32 $1.131370830e+01, v30;
	v53 =	vld [tilespmem:s25+$0x10380];
	[tilespmem:s25+$0x8300] =	vst v15;
	v15 =	vadd.f32 v45, v50  }
0x217: {  	v48 =	vld [tilespmem:s25+$0x10340];
	v0 =	vadd.f32 v39, v0;
	[tilespmem:s25+$0x82B0] =	vst v3;
	v3 =	vmul.f32 $1.131370830e+01, v52  }
0x218: {  	v1 =	vld [tilespmem:s25+$0x10360];
	v46 =	vadd.f32 v60, v30;
	[tilespmem:s25+$0x82D0] =	vst v15;
	v15 =	vmul.f32 $1.131370830e+01, v55  }
0x219: {  	v47 =	vld [tilespmem:s25+$0x10440];
	v55 =	vmul.f32 $1.131370830e+01, v56;
	[tilespmem:s25+$0x8310] =	vst v0;
	v3 =	vadd.f32 v43, v3  }
0x21a: {  	v51 =	vld [tilespmem:s25+$0x10470];
	v0 =	vmul.f32 $1.131370830e+01, v57;
	[tilespmem:s25+$0x83C0] =	vst v46;
	v15 =	vadd.f32 v61, v15  }
0x21b: {  	v36 =	vmul.f32 $1.131370830e+01, v36;
	v54 =	vld [tilespmem:s25+$0x10390];
	v38 =	vadd.f32 v62, v55;
	[tilespmem:s25+$0x82F0] =	vst v3  }
0x21c: {  	v59 =	vld [tilespmem:s25+$0x103B0];
	v0 =	vadd.f32 v48, v0;
	v3 =	vmul.f32 $1.131370830e+01, v58;
	[tilespmem:s25+$0x8320] =	vst v15  }
0x21d: {  	v52 =	vld [tilespmem:s25+$0x10370];
	v1 =	vadd.f32 v1, v36;
	v15 =	vmul.f32 $1.131370830e+01, v37;
	[tilespmem:s25+$0x8330] =	vst v38  }
0x21e: {  	v56 =	vld [tilespmem:s25+$0x103A0];
	[tilespmem:s25+$0x8340] =	vst v0;
	v0 =	vmul.f32 $1.131370830e+01, v34;
	v3 =	vadd.f32 v53, v3  }
0x21f: {  	v42 =	vld [tilespmem:s25+$0x10400];
	[tilespmem:s25+$0x8360] =	vst v1;
	v1 =	vmul.f32 $1.131370830e+01, v32;
	v15 =	vadd.f32 v49, v15  }
0x220: {  	v63 =	vmul.f32 $1.131370830e+01, v35;
	v62 =	vld [tilespmem:s25+$0x103E0];
	v0 =	vadd.f32 v54, v0;
	[tilespmem:s25+$0x8380] =	vst v3  }
0x221: {  	v1 =	vadd.f32 v59, v1;
	v3 =	vld [tilespmem:s25+$0x103F0];
	[tilespmem:s25+$0x8350] =	vst v15;
	v15 =	vmul.f32 $1.131370830e+01, v33  }
0x222: {  	v61 =	vld [tilespmem:s25+$0x103D0];
	v36 =	vadd.f32 v52, v63;
	[tilespmem:s25+$0x8390] =	vst v0;
	v0 =	vmul.f32 $1.131370830e+01, v31  }
0x223: {  	v43 =	vld [tilespmem:s25+$0x10410];
	[tilespmem:s25+$0x83B0] =	vst v1;
	v1 =	vmul.f32 $1.131370830e+01, v28;
	v15 =	vadd.f32 v56, v15  }
0x224: {  	v27 =	vmul.f32 $1.131370830e+01, v27;
	v45 =	vld [tilespmem:s25+$0x10430];
	[tilespmem:s25+$0x8370] =	vst v36;
	v0 =	vadd.f32 v42, v0  }
0x225: {  	v44 =	vld [tilespmem:s25+$0x10420];
	v1 =	vadd.f32 v62, v1;
	[tilespmem:s25+$0x83A0] =	vst v15;
	v15 =	vmul.f32 $1.131370830e+01, v29  }
0x226: {  	v26 =	vmul.f32 $1.131370830e+01, v26;
	v14 =	vld [tilespmem:s25+$0x85A0];
	[tilespmem:s25+$0x8400] =	vst v0;
	v3 =	vadd.f32 v3, v27  }
0x227: {  	v48 =	vld [tilespmem:s25+$0x10450];
	[tilespmem:s25+$0x83E0] =	vst v1;
	v1 =	vmul.f32 $1.131370830e+01, v12;
	v15 =	vadd.f32 v61, v15  }
0x228: {  	v49 =	vld [tilespmem:s25+$0x10460];
	v52 =	vadd.f32 v43, v26;
	v0 =	vmul.f32 $1.131370830e+01, v13;
	[tilespmem:s25+$0x83F0] =	vst v3  }
0x229: {  	v3 =	vmul.f32 $1.131370830e+01, v11;
	v1 =	vadd.f32 v45, v1;
	[tilespmem:s25+$0x83D0] =	vst v15;
	v15 =	vld [tilespmem:s25+$0x10480]  }
0x22a: {  	v10 =	vmul.f32 $1.131370830e+01, v10;
	v35 =	vld [tilespmem:s25+$0x85B0];
	[tilespmem:s25+$0x8410] =	vst v52;
	v0 =	vadd.f32 v44, v0  }
0x22b: {  	v53 =	vld [tilespmem:s25+$0x10490];
	v3 =	vadd.f32 v47, v3;
	[tilespmem:s25+$0x8430] =	vst v1;
	v1 =	vmul.f32 $1.131370830e+01, v8  }
0x22c: {  	v54 =	vld [tilespmem:s25+$0x104A0];
	[tilespmem:s25+$0x8420] =	vst v0;
	v0 =	vmul.f32 $1.131370830e+01, v9;
	v8 =	vadd.f32 v48, v10  }
0x22d: {  	v55 =	vld [tilespmem:s25+$0x104B0];
	[tilespmem:s25+$0x8440] =	vst v3;
	v3 =	vmul.f32 $1.131370830e+01, v7;
	v1 =	vadd.f32 v49, v1  }
0x22e: {  	v6 =	vmul.f32 $1.131370830e+01, v6;
	v56 =	vld [tilespmem:s25+$0x104C0];
	[tilespmem:s25+$0x8450] =	vst v8;
	v0 =	vadd.f32 v15, v0  }
0x22f: {  	v5 =	vmul.f32 $1.131370830e+01, v5;
	v7 =	vld [tilespmem:s25+$0x104D0];
	v3 =	vadd.f32 v51, v3;
	[tilespmem:s25+$0x8460] =	vst v1  }
0x230: {  	v8 =	vld [tilespmem:s25+$0x104E0];
	v1 =	vadd.f32 v53, v6;
	[tilespmem:s25+$0x8480] =	vst v0;
	v0 =	vmul.f32 $1.131370830e+01, v4  }
0x231: {  	v5 =	vadd.f32 v54, v5;
	v6 =	vld [tilespmem:s25+$0x10500];
	[tilespmem:s25+$0x8470] =	vst v3;
	v3 =	vmul.f32 $1.131370830e+01, v16  }
0x232: {  	v4 =	vld [tilespmem:s25+$0x104F0];
	[tilespmem:s25+$0x8490] =	vst v1;
	v1 =	vmul.f32 $1.131370830e+01, v17;
	v0 =	vadd.f32 v55, v0  }
0x233: {  	v58 =	vld [tilespmem:s25+$0x10510];
	[tilespmem:s25+$0x84A0] =	vst v5;
	v5 =	vmul.f32 $1.131370830e+01, v18;
	v3 =	vadd.f32 v56, v3  }
0x234: {  	v59 =	vld [tilespmem:s25+$0x10520];
	v1 =	vadd.f32 v7, v1;
	[tilespmem:s25+$0x84B0] =	vst v0;
	v0 =	vmul.f32 $1.131370830e+01, v25  }
0x235: {  	v5 =	vadd.f32 v8, v5;
	v7 =	vld [tilespmem:s25+$0x10530];
	[tilespmem:s25+$0x84C0] =	vst v3;
	v3 =	vmul.f32 $1.131370830e+01, v24  }
0x236: {  	v50 =	vld [tilespmem:s25+$0x85C0];
	[tilespmem:s25+$0x84D0] =	vst v1;
	v1 =	vmul.f32 $1.131370830e+01, v23;
	v0 =	vadd.f32 v6, v0  }
0x237: {  	v57 =	vld [tilespmem:s25+$0x85D0];
	[tilespmem:s25+$0x84E0] =	vst v5;
	v3 =	vadd.f32 v4, v3;
	v4 =	vmul.f32 $1.131370830e+01, v22  }
0x238: {  	v60 =	vmul.f32 $1.131370830e+01, v20;
	v62 =	vld [tilespmem:s25+$0x10580];
	v1 =	vadd.f32 v58, v1;
	[tilespmem:s25+$0x8500] =	vst v0  }
0x239: {  	v8 =	vld [tilespmem:s25+$0x10540];
	[tilespmem:s25+$0x84F0] =	vst v3;
	v3 =	vadd.f32 v59, v4  }
0x23a: {  	v6 =	vld [tilespmem:s25+$0x10550];
	v7 =	vadd.f32 v7, v60;
	[tilespmem:s25+$0x8510] =	vst v1  }
0x23b: {  	v1 =	vld [tilespmem:$0x1FED0];
	[tilespmem:s25+$0x8520] =	vst v3  }
0x23c: {  	v3 =	vld [tilespmem:$0x1FEE0];
	[tilespmem:s25+$0x8530] =	vst v7  }
0x23d: {  	v7 =	vld [tilespmem:$0x1FEF0]  }
0x23e: {  	v5 =	vld [tilespmem:s25+$0x10560]  }
0x23f: {  	v0 =	vmul.f32 $1.131370830e+01, v19;
	v4 =	vld [tilespmem:s25+$0x10570]  }
0x240: {  	v61 =	vld [tilespmem:s25+$0x85E0];
	v1 =	vmul.f32 $1.131370830e+01, v1  }
0x241: {  	v8 =	vadd.f32 v8, v0;
	v0 =	vld [tilespmem:s25+$0x10590];
	v3 =	vmul.f32 $1.131370830e+01, v3  }
0x242: {  	v63 =	vmul.f32 $1.131370830e+01, v21;
	v6 =	vadd.f32 v6, v1;
	v1 =	vld [tilespmem:s25+$0x105A0];
	v7 =	vmul.f32 $1.131370830e+01, v7  }
0x243: {  	v21 =	vmul.f32 $1.131370830e+01, v2;
	v2 =	vld [tilespmem:s25+$0x105B0];
	v20 =	vmul.f32 $1.131370830e+01, v57;
	[tilespmem:s25+$0x8540] =	vst v8;
	v8 =	vadd.f32 v5, v3  }
0x244: {  	v18 =	vmul.f32 $1.131370830e+01, v14;
	v16 =	vmul.f32 $1.131370830e+01, v50;
	[tilespmem:s25+$0x8550] =	vst v6;
	v3 =	vld [tilespmem:s25+$0x105C0];
	v5 =	vadd.f32 v4, v7  }
0x245: {  	s26 =	simm.s32 $0x80;
	s28 =	simm.s32 $0x1000;
	v17 =	vmul.f32 $1.131370830e+01, v61;
	v19 =	vmul.f32 $1.131370830e+01, v35;
	v6 =	vadd.f32 v62, v63;
	v4 =	vld [tilespmem:s25+$0x105D0];
	[tilespmem:s25+$0x8560] =	vst v8  }
.LBB2_4:
0x246: {  	s29 =	sshra.s32 s28, $0x2;
	[tilespmem:s25+$0x8570] =	vst v5;
	v5 =	vld [tilespmem:s25+$0x105E0];
	v0 =	vadd.f32 v0, v21  }
0x247: {  	v7 =	vld [tilespmem:s29+$0x85F0];
	[tilespmem:s25+$0x8580] =	vst v6;
	v1 =	vadd.f32 v1, v18  }
0x248: {  	[tilespmem:s25+$0x8590] =	vst v0;
	v0 =	vadd.f32 v2, v19  }
0x249: {  	v2 =	vld [tilespmem:s29+$0x105F0];
	[tilespmem:s25+$0x85A0] =	vst v1;
	v1 =	vadd.f32 v3, v16  }
0x24a: {  	[tilespmem:s25+$0x85B0] =	vst v0;
	v0 =	vadd.f32 v4, v20  }
0x24b: {  	[tilespmem:s25+$0x85C0] =	vst v1;
	v1 =	vadd.f32 v5, v17  }
0x24c: {  	v3 =	vld [tilespmem:s29+$0x8210];
	[tilespmem:s25+$0x85D0] =	vst v0  }
0x24d: {  	v5 =	vld [tilespmem:s29+$0x8230];
	[tilespmem:s25+$0x85E0] =	vst v1;
	s25 =	smov.u32 s29  }
0x24e: {  	v15 =	vld [tilespmem:s25+$0x82C0]  }
0x24f: {  	v0 =	vld [tilespmem:s29+$0x8240]  }
0x250: {  	v16 =	vld [tilespmem:s25+$0x82D0]  }
0x251: {  	v17 =	vld [tilespmem:s25+$0x82F0]  }
0x252: {  	v18 =	vld [tilespmem:s25+$0x8300]  }
0x253: {  	v24 =	vmul.f32 $1.131370830e+01, v15;
	v15 =	vld [tilespmem:s25+$0x8310]  }
0x254: {  	v19 =	vld [tilespmem:s25+$0x8330]  }
0x255: {  	v25 =	vmul.f32 $1.131370830e+01, v16;
	v16 =	vld [tilespmem:s25+$0x8320]  }
0x256: {  	v11 =	vmul.f32 $1.131370830e+01, v0;
	v0 =	vld [tilespmem:s25+$0x8290]  }
0x257: {  	v63 =	vmul.f32 $1.131370830e+01, v17;
	v17 =	vld [tilespmem:s25+$0x8340]  }
0x258: {  	v61 =	vmul.f32 $1.131370830e+01, v15;
	v15 =	vld [tilespmem:s25+$0x8360]  }
0x259: {  	v62 =	vmul.f32 $1.131370830e+01, v18;
	v18 =	vld [tilespmem:s25+$0x8350]  }
0x25a: {  	v60 =	vmul.f32 $1.131370830e+01, v16;
	v16 =	vld [tilespmem:s25+$0x8370]  }
0x25b: {  	v59 =	vmul.f32 $1.131370830e+01, v19;
	v19 =	vld [tilespmem:s25+$0x8380]  }
0x25c: {  	v13 =	vmul.f32 $1.131370830e+01, v5;
	v5 =	vmul.f32 $1.131370830e+01, v0;
	v0 =	vld [tilespmem:s25+$0x82E0]  }
0x25d: {  	v56 =	vmul.f32 $1.131370830e+01, v15;
	v15 =	vld [tilespmem:s25+$0x83B0]  }
0x25e: {  	v58 =	vmul.f32 $1.131370830e+01, v17;
	v17 =	vld [tilespmem:s25+$0x8390]  }
0x25f: {  	v55 =	vmul.f32 $1.131370830e+01, v16;
	v16 =	vld [tilespmem:s25+$0x83C0]  }
0x260: {  	v57 =	vmul.f32 $1.131370830e+01, v18;
	v18 =	vld [tilespmem:s25+$0x83A0]  }
0x261: {  	v54 =	vmul.f32 $1.131370830e+01, v19;
	v19 =	vld [tilespmem:s25+$0x83D0]  }
0x262: {  	v51 =	vmul.f32 $1.131370830e+01, v15;
	v15 =	vld [tilespmem:s25+$0x8400]  }
0x263: {  	v53 =	vmul.f32 $1.131370830e+01, v17;
	v17 =	vld [tilespmem:s25+$0x83E0]  }
0x264: {  	v50 =	vmul.f32 $1.131370830e+01, v16;
	v16 =	vld [tilespmem:s25+$0x8410]  }
0x265: {  	v52 =	vmul.f32 $1.131370830e+01, v18;
	v18 =	vld [tilespmem:s25+$0x83F0]  }
0x266: {  	v49 =	vmul.f32 $1.131370830e+01, v19;
	v19 =	vld [tilespmem:s25+$0x8420]  }
0x267: {  	v46 =	vmul.f32 $1.131370830e+01, v15;
	v15 =	vld [tilespmem:s25+$0x8450]  }
0x268: {  	v48 =	vmul.f32 $1.131370830e+01, v17;
	v17 =	vld [tilespmem:s25+$0x8430]  }
0x269: {  	v45 =	vmul.f32 $1.131370830e+01, v16;
	v16 =	vld [tilespmem:s25+$0x8460]  }
0x26a: {  	v47 =	vmul.f32 $1.131370830e+01, v18;
	v18 =	vld [tilespmem:s25+$0x8440]  }
0x26b: {  	v44 =	vmul.f32 $1.131370830e+01, v19;
	v19 =	vld [tilespmem:s25+$0x8470]  }
0x26c: {  	v41 =	vmul.f32 $1.131370830e+01, v15;
	v15 =	vld [tilespmem:s25+$0x84A0]  }
0x26d: {  	v43 =	vmul.f32 $1.131370830e+01, v17;
	v17 =	vld [tilespmem:s25+$0x8480]  }
0x26e: {  	v40 =	vmul.f32 $1.131370830e+01, v16;
	v16 =	vld [tilespmem:s25+$0x84B0]  }
0x26f: {  	v42 =	vmul.f32 $1.131370830e+01, v18;
	v18 =	vld [tilespmem:s25+$0x8490]  }
0x270: {  	v39 =	vmul.f32 $1.131370830e+01, v19;
	v19 =	vld [tilespmem:s25+$0x84C0]  }
0x271: {  	v36 =	vmul.f32 $1.131370830e+01, v15;
	v15 =	vld [tilespmem:s25+$0x84F0]  }
0x272: {  	v38 =	vmul.f32 $1.131370830e+01, v17;
	v17 =	vld [tilespmem:s25+$0x84D0]  }
0x273: {  	v35 =	vmul.f32 $1.131370830e+01, v16;
	v16 =	vld [tilespmem:s25+$0x8500]  }
0x274: {  	v37 =	vmul.f32 $1.131370830e+01, v18;
	v18 =	vld [tilespmem:s25+$0x84E0]  }
0x275: {  	v34 =	vmul.f32 $1.131370830e+01, v19;
	v19 =	vld [tilespmem:s25+$0x8510]  }
0x276: {  	v31 =	vmul.f32 $1.131370830e+01, v15;
	v15 =	vld [tilespmem:s25+$0x8540]  }
0x277: {  	v33 =	vmul.f32 $1.131370830e+01, v17;
	v17 =	vld [tilespmem:s25+$0x8520]  }
0x278: {  	v30 =	vmul.f32 $1.131370830e+01, v16;
	v16 =	vld [tilespmem:s25+$0x8550]  }
0x279: {  	v32 =	vmul.f32 $1.131370830e+01, v18;
	v18 =	vld [tilespmem:s25+$0x8530]  }
0x27a: {  	v29 =	vmul.f32 $1.131370830e+01, v19;
	v19 =	vld [tilespmem:s25+$0x8560]  }
0x27b: {  	v1 =	vld [tilespmem:s25+$0x8250];
	v26 =	vmul.f32 $1.131370830e+01, v0;
	v0 =	vmul.f32 $1.131370830e+01, v15  }
0x27c: {  	v28 =	vmul.f32 $1.131370830e+01, v17;
	v17 =	vld [tilespmem:s25+$0x8570]  }
0x27d: {  	v14 =	vmul.f32 $1.131370830e+01, v3;
	v3 =	vld [tilespmem:s25+$0x8260];
	[tilespmem:$0x1FE80] =	vst v0;
	v0 =	vmul.f32 $1.131370830e+01, v16  }
0x27e: {  	v8 =	vmul.f32 $1.131370830e+01, v7;
	v27 =	vmul.f32 $1.131370830e+01, v18;
	v18 =	vld [tilespmem:s25+$0x8580]  }
0x27f: {  	v4 =	vld [tilespmem:s29+$0x8220];
	[tilespmem:$0x1FE90] =	vst v0;
	v0 =	vmul.f32 $1.131370830e+01, v19  }
0x280: {  	v6 =	vld [tilespmem:s29+$0x8200];
	v2 =	vadd.f32 v2, v8  }
0x281: {  	v10 =	vmul.f32 $1.131370830e+01, v1;
	v1 =	vld [tilespmem:s25+$0x82A0];
	[tilespmem:$0x1FEA0] =	vst v0;
	v0 =	vmul.f32 $1.131370830e+01, v17  }
0x282: {  	[tilespmem:s25+$0x85F0] =	vst v2;
	v2 =	vld [tilespmem:s25+$0x8280]  }
0x283: {  	v9 =	vmul.f32 $1.131370830e+01, v3;
	v3 =	vld [tilespmem:s25+$0x82B0];
	[tilespmem:$0x1FEB0] =	vst v0;
	v0 =	vmul.f32 $1.131370830e+01, v18  }
0x284: {  	v12 =	vmul.f32 $1.131370830e+01, v4;
	v4 =	vld [tilespmem:s25+$0x8270]  }
0x285: {  	[tilespmem:$0x1FEC0] =	vst v0;
	v0 =	vld [tilespmem:s25+$0x10200]  }
0x286: {  	v22 =	vmul.f32 $1.131370830e+01, v1;
	v1 =	vld [tilespmem:s25+$0x10210]  }
0x287: {  	v7 =	vmul.f32 $1.131370830e+01, v6;
	v6 =	vmul.f32 $1.131370830e+01, v2;
	v2 =	vld [tilespmem:s25+$0x10220]  }
0x288: {  	v23 =	vmul.f32 $1.131370830e+01, v3;
	v3 =	vld [tilespmem:s25+$0x10230]  }
0x289: {  	v8 =	vmul.f32 $1.131370830e+01, v4;
	v4 =	vld [tilespmem:s25+$0x10240]  }
0x28a: {  	v0 =	vadd.f32 v0, v7;
	v7 =	vld [tilespmem:s25+$0x10250]  }
0x28b: {  	v1 =	vadd.f32 v1, v14;
	v14 =	vld [tilespmem:s25+$0x10260]  }
0x28c: {  	[tilespmem:s25+$0x8200] =	vst v0;
	v0 =	vadd.f32 v2, v12;
	v2 =	vld [tilespmem:s25+$0x10270]  }
0x28d: {  	[tilespmem:s25+$0x8210] =	vst v1;
	v1 =	vadd.f32 v3, v13;
	v3 =	vld [tilespmem:s25+$0x10280]  }
0x28e: {  	[tilespmem:s25+$0x8220] =	vst v0;
	v0 =	vadd.f32 v4, v11;
	v4 =	vld [tilespmem:s25+$0x10290]  }
0x28f: {  	[tilespmem:s25+$0x8230] =	vst v1;
	v1 =	vadd.f32 v7, v10;
	v7 =	vld [tilespmem:s25+$0x102A0]  }
0x290: {  	[tilespmem:s25+$0x8240] =	vst v0;
	v0 =	vadd.f32 v14, v9;
	v14 =	vld [tilespmem:s25+$0x102B0]  }
0x291: {  	[tilespmem:s25+$0x8250] =	vst v1;
	v1 =	vadd.f32 v2, v8;
	v2 =	vld [tilespmem:s25+$0x102C0]  }
0x292: {  	[tilespmem:s25+$0x8260] =	vst v0;
	v0 =	vadd.f32 v3, v6;
	v3 =	vld [tilespmem:s25+$0x102D0]  }
0x293: {  	[tilespmem:s25+$0x8270] =	vst v1;
	v1 =	vadd.f32 v4, v5;
	v4 =	vld [tilespmem:s25+$0x102E0]  }
0x294: {  	v5 =	vld [tilespmem:s25+$0x102F0];
	[tilespmem:s25+$0x8280] =	vst v0;
	v0 =	vadd.f32 v7, v22  }
0x295: {  	v6 =	vld [tilespmem:s25+$0x10300];
	[tilespmem:s25+$0x8290] =	vst v1;
	v1 =	vadd.f32 v14, v23  }
0x296: {  	[tilespmem:s25+$0x82A0] =	vst v0;
	v0 =	vadd.f32 v2, v24;
	v2 =	vld [tilespmem:s25+$0x10310]  }
0x297: {  	[tilespmem:s25+$0x82B0] =	vst v1;
	v1 =	vadd.f32 v3, v25;
	v3 =	vld [tilespmem:s25+$0x10320]  }
0x298: {  	[tilespmem:s25+$0x82C0] =	vst v0;
	v0 =	vadd.f32 v4, v26;
	v4 =	vld [tilespmem:s25+$0x10330]  }
0x299: {  	[tilespmem:s25+$0x82D0] =	vst v1;
	v1 =	vadd.f32 v5, v63;
	v5 =	vld [tilespmem:s25+$0x10340]  }
0x29a: {  	[tilespmem:s25+$0x82E0] =	vst v0;
	v0 =	vadd.f32 v6, v62;
	v6 =	vld [tilespmem:s25+$0x10350]  }
0x29b: {  	[tilespmem:s25+$0x82F0] =	vst v1;
	v1 =	vadd.f32 v2, v61;
	v2 =	vld [tilespmem:s25+$0x10360]  }
0x29c: {  	[tilespmem:s25+$0x8300] =	vst v0;
	v0 =	vadd.f32 v3, v60;
	v3 =	vld [tilespmem:s25+$0x10370]  }
0x29d: {  	[tilespmem:s25+$0x8310] =	vst v1;
	v1 =	vadd.f32 v4, v59;
	v4 =	vld [tilespmem:s25+$0x10380]  }
0x29e: {  	[tilespmem:s25+$0x8320] =	vst v0;
	v0 =	vadd.f32 v5, v58;
	v5 =	vld [tilespmem:s25+$0x10390]  }
0x29f: {  	[tilespmem:s25+$0x8330] =	vst v1;
	v1 =	vadd.f32 v6, v57;
	v6 =	vld [tilespmem:s25+$0x103A0]  }
0x2a0: {  	[tilespmem:s25+$0x8340] =	vst v0;
	v0 =	vadd.f32 v2, v56;
	v2 =	vld [tilespmem:s25+$0x103B0]  }
0x2a1: {  	[tilespmem:s25+$0x8350] =	vst v1;
	v1 =	vadd.f32 v3, v55;
	v3 =	vld [tilespmem:s25+$0x103C0]  }
0x2a2: {  	[tilespmem:s25+$0x8360] =	vst v0;
	v0 =	vadd.f32 v4, v54;
	v4 =	vld [tilespmem:s25+$0x103D0]  }
0x2a3: {  	[tilespmem:s25+$0x8370] =	vst v1;
	v1 =	vadd.f32 v5, v53;
	v5 =	vld [tilespmem:s25+$0x103E0]  }
0x2a4: {  	[tilespmem:s25+$0x8380] =	vst v0;
	v0 =	vadd.f32 v6, v52;
	v6 =	vld [tilespmem:s25+$0x103F0]  }
0x2a5: {  	[tilespmem:s25+$0x8390] =	vst v1;
	v1 =	vadd.f32 v2, v51;
	v2 =	vld [tilespmem:s25+$0x10400]  }
0x2a6: {  	[tilespmem:s25+$0x83A0] =	vst v0;
	v0 =	vadd.f32 v3, v50;
	v3 =	vld [tilespmem:s25+$0x10410]  }
0x2a7: {  	[tilespmem:s25+$0x83B0] =	vst v1;
	v1 =	vadd.f32 v4, v49;
	v4 =	vld [tilespmem:s25+$0x10420]  }
0x2a8: {  	[tilespmem:s25+$0x83C0] =	vst v0;
	v0 =	vadd.f32 v5, v48;
	v5 =	vld [tilespmem:s25+$0x10430]  }
0x2a9: {  	[tilespmem:s25+$0x83D0] =	vst v1;
	v1 =	vadd.f32 v6, v47;
	v6 =	vld [tilespmem:s25+$0x10440]  }
0x2aa: {  	[tilespmem:s25+$0x83E0] =	vst v0;
	v0 =	vadd.f32 v2, v46;
	v2 =	vld [tilespmem:s25+$0x10450]  }
0x2ab: {  	[tilespmem:s25+$0x83F0] =	vst v1;
	v1 =	vadd.f32 v3, v45;
	v3 =	vld [tilespmem:s25+$0x10460]  }
0x2ac: {  	[tilespmem:s25+$0x8400] =	vst v0;
	v0 =	vadd.f32 v4, v44;
	v4 =	vld [tilespmem:s25+$0x10470]  }
0x2ad: {  	[tilespmem:s25+$0x8410] =	vst v1;
	v1 =	vadd.f32 v5, v43;
	v5 =	vld [tilespmem:s25+$0x10480]  }
0x2ae: {  	[tilespmem:s25+$0x8420] =	vst v0;
	v0 =	vadd.f32 v6, v42;
	v6 =	vld [tilespmem:s25+$0x10490]  }
0x2af: {  	[tilespmem:s25+$0x8430] =	vst v1;
	v1 =	vadd.f32 v2, v41;
	v2 =	vld [tilespmem:s25+$0x104A0]  }
0x2b0: {  	[tilespmem:s25+$0x8440] =	vst v0;
	v0 =	vadd.f32 v3, v40;
	v3 =	vld [tilespmem:s25+$0x104B0]  }
0x2b1: {  	[tilespmem:s25+$0x8450] =	vst v1;
	v1 =	vadd.f32 v4, v39;
	v4 =	vld [tilespmem:s25+$0x104C0]  }
0x2b2: {  	[tilespmem:s25+$0x8460] =	vst v0;
	v0 =	vadd.f32 v5, v38;
	v5 =	vld [tilespmem:s25+$0x104D0]  }
0x2b3: {  	[tilespmem:s25+$0x8470] =	vst v1;
	v1 =	vadd.f32 v6, v37;
	v6 =	vld [tilespmem:s25+$0x104E0]  }
0x2b4: {  	[tilespmem:s25+$0x8480] =	vst v0;
	v0 =	vadd.f32 v2, v36  }
0x2b5: {  	[tilespmem:s25+$0x8490] =	vst v1;
	v1 =	vadd.f32 v3, v35;
	v3 =	vld [tilespmem:s25+$0x10500]  }
0x2b6: {  	[tilespmem:s25+$0x84A0] =	vst v0;
	v0 =	vadd.f32 v4, v34  }
0x2b7: {  	[tilespmem:s25+$0x84B0] =	vst v1;
	v1 =	vadd.f32 v5, v33;
	v5 =	vld [tilespmem:s25+$0x10520]  }
0x2b8: {  	v2 =	vld [tilespmem:s25+$0x104F0];
	[tilespmem:s25+$0x84C0] =	vst v0;
	v0 =	vadd.f32 v6, v32;
	_ =	sdelay $0x1  }
0x2b9: {  	[tilespmem:s25+$0x84E0] =	vst v0;
	v0 =	vadd.f32 v3, v30  }
0x2ba: {  	v4 =	vld [tilespmem:s25+$0x10510]  }
0x2bb: {  	v6 =	vld [tilespmem:s25+$0x10530];
	[tilespmem:s25+$0x8500] =	vst v0;
	v0 =	vadd.f32 v5, v28  }
0x2bc: {  	[tilespmem:s25+$0x84D0] =	vst v1;
	v1 =	vadd.f32 v2, v31;
	v2 =	vld [tilespmem:s25+$0x10540]  }
0x2bd: {  	[tilespmem:s25+$0x8520] =	vst v0;
	v0 =	vld [tilespmem:$0x1FE80]  }
0x2be: {  	v20 =	vld [tilespmem:s25+$0x85D0]  }
0x2bf: {  	v15 =	vld [tilespmem:s25+$0x8590];
	[tilespmem:s25+$0x84F0] =	vst v1;
	v1 =	vadd.f32 v4, v29  }
0x2c0: {  	v16 =	vld [tilespmem:s25+$0x85A0]  }
0x2c1: {  	v3 =	vld [tilespmem:s25+$0x10550];
	[tilespmem:s25+$0x8510] =	vst v1;
	v1 =	vadd.f32 v6, v27  }
0x2c2: {  	v4 =	vld [tilespmem:s25+$0x10560];
	v2 =	vadd.f32 v2, v0  }
0x2c3: {  	[tilespmem:s25+$0x8530] =	vst v1;
	v1 =	vld [tilespmem:$0x1FE90]  }
0x2c4: {  	[tilespmem:s25+$0x8540] =	vst v2;
	v2 =	vld [tilespmem:$0x1FEA0]  }
0x2c5: {  	v19 =	vld [tilespmem:s25+$0x85B0]  }
0x2c6: {  	v21 =	vmul.f32 $1.131370830e+01, v15;
	v15 =	vld [tilespmem:s25+$0x85E0]  }
0x2c7: {  	v17 =	vld [tilespmem:s25+$0x85C0]  }
0x2c8: {  	v5 =	vld [tilespmem:s25+$0x10570];
	v3 =	vadd.f32 v3, v1  }
0x2c9: {  	v6 =	vld [tilespmem:s25+$0x10580];
	v4 =	vadd.f32 v4, v2  }
0x2ca: {  	s26 =	sadd.s32 $0x8, s26;
	[tilespmem:s25+$0x8550] =	vst v3;
	v3 =	vld [tilespmem:$0x1FEB0]  }
0x2cb: {  	p0 =	slt.u32 s26, $0xF8;
	[tilespmem:s25+$0x8560] =	vst v4;
	v4 =	vld [tilespmem:$0x1FEC0]  }
.Ltmp1:
0x2cc: {  	v0 =	vld [tilespmem:s25+$0x10590];
	(pc) =	sbr.rel @p0 .LBB2_4-.Ltmp1, $4  }
0x2cd: {  	v1 =	vld [tilespmem:s25+$0x105A0]  }
0x2ce: {  	v20 =	vmul.f32 $1.131370830e+01, v20;
	v2 =	vld [tilespmem:s25+$0x105B0]  }
0x2cf: {  	v18 =	vmul.f32 $1.131370830e+01, v16;
	v19 =	vmul.f32 $1.131370830e+01, v19;
	v5 =	vadd.f32 v5, v3;
	v3 =	vld [tilespmem:s25+$0x105C0]  }
0x2d0: {  	s28 =	sadd.s32 $0x1000, s28;
	v16 =	vmul.f32 $1.131370830e+01, v17;
	v17 =	vmul.f32 $1.131370830e+01, v15;
	v6 =	vadd.f32 v6, v4;
	v4 =	vld [tilespmem:s25+$0x105D0]  }
0x2d1: {  	[tilespmem:s25+$0x8570] =	vst v5;
	v0 =	vadd.f32 v0, v21;
	v59 =	vld [tilespmem:s25+$0x105E0]  }
0x2d2: {  	[tilespmem:s25+$0x8580] =	vst v6;
	v1 =	vadd.f32 v1, v18  }
0x2d3: {  	[tilespmem:s25+$0x8590] =	vst v0;
	v60 =	vadd.f32 v2, v19  }
0x2d4: {  	[tilespmem:s25+$0x85A0] =	vst v1;
	v61 =	vadd.f32 v3, v16  }
0x2d5: {  	[tilespmem:s25+$0x85B0] =	vst v60;
	v62 =	vadd.f32 v4, v20  }
0x2d6: {  	[tilespmem:s25+$0x85C0] =	vst v61;
	v63 =	vadd.f32 v59, v17  }
0x2d7: {  	[tilespmem:s25+$0x85D0] =	vst v62  }
0x2d8: {  	s24 =	sadd.s32 $0x1, s24;
	[tilespmem:s25+$0x85E0] =	vst v63  }
0x2d9: {  	[hbm4b:s8+s4] =	stream.linear.scatter [tilespmem:s18], [sflag:$0x3], $0x4000, $0x38;
	[tilespmem:$0x14200] =	vst v63  }
0x2da: {  	p0 =	sne.s32 s24, s9;
	_ =	swait.ge [sflag:s23], $0x4000  }
.Ltmp2:
0x2db: {  	[sflag:s23] =	ssyncset.done $0x0;
	(pc) =	sbr.rel @p0 .LBB2_1-.Ltmp2, $4  }
0x2dc: {  	[sflag:s23] =	ssyncadd.s32 $0xFFFFC000  }
0x2dd: {  	_ =	swait.ge [sflag:s23], $0x4000  }
0x2de: {  	[sflag:s23] =	ssyncset.done $0x0  }
0x2df: {  	[sflag:s23] =	ssyncadd.s32 $0xFFFFC000  }
0x2e0: {  	_ =	sfence.sel $0x180000  }
0x2e1: {  	[bflag:$0x0] =	sbarrier.arrive $0xFFFF  }
0x2e2: {  	p0 =	sne.s32 s3, $0x0;
	_ =	strace $0x90000047  }
0x2e3: {  	s0 =	sadd.s32 @!p0 $0x100000, s2;
	[bflag:$0x2] =	sbarrier.arrive $0xFFFF  }
0x2e4: {  	[sflag:s0] =	ssyncadd.tile.s32 @!p0 $0x1;
	_ =	shalt  }
.Lfunc_end2:
_tile_overlayer_lowered:
.L_overlay_start_2:
0x2e5: {  	(tag) =	ssettag $0x2  }
0x2e6: {  	s0 =	rddreg [dreg:$0x0];
	s2 =	stileid.u32  }
0x2e7: {  	s1 =	rddreg [dreg:$0x1];
	p0 =	sne.s32 s2, $0x0  }
0x2e8: {  	s3 =	rddreg [dreg:$0x2];
	[bflag:$0x3] =	sbarrier.arrive $0xFFFF;
	s2 =	simm.s32 @!p0 $0x1C04  }
0x2e9: {  	[timem:s3], [sflag:s2] =	dma.local @!p0 [hbm:s0], s1  }
0x2ea: {  	s0 =	simm.s32 @!p0 $0x4  }
0x2eb: {  	_ =	swait.ge @!p0 [sflag:s0], s1  }
0x2ec: {  	s1 =	ssub.s32 @!p0 $0x0, s1;
	[sflag:s0] =	ssyncset.done @!p0 $0x0  }
0x2ed: {  	[sflag:s0] =	ssyncadd.s32 @!p0 s1  }
0x2ee: {  	[bflag:$0x3] =	sbarrier.arrive $0xFFFF  }
0x2ef: {  	_ =	shalt  }

</sc_bundles>
